<compile_context>
chip_gen: v7x
topology: tpu7x:2x2x1
jax: 0.10.2.dev20260603
libtpu: 0.0.44.dev20260713+nightly
codegen_flags: <defaults>
</compile_context>

<pallas_src>
import jax
import jax.numpy as jnp
from jax import lax
from jax.experimental import pallas as pl
from jax.experimental.pallas import tpu as pltpu
from jax.experimental.pallas import tpu_sc as plsc

LANES = 16
NW = 32
BW = 512
LC = 5


def _sc_body(B, L, idx_hbm, tab_hbm, lab_hbm, coded_hbm, mask_hbm,
             labo_hbm, idx_blk, coded_s, tab_v, lab_v, sem_c, sem_m):
    c = lax.axis_index("c")
    s = lax.axis_index("s")
    wid = s * 2 + c

    pltpu.sync_copy(lab_hbm.at[pl.ds(wid * BW, BW)], lab_v)
    pltpu.sync_copy(lab_v, labo_hbm.at[pl.ds(wid * BW, BW)])

    pltpu.sync_copy(tab_hbm, tab_v.at[pl.ds(LANES, LANES)])

    lanes = lax.iota(jnp.int32, LANES)
    lanesL = lanes * L

    b0 = wid * BW
    pltpu.sync_copy(idx_hbm.at[pl.ds(b0 * L, BW * L)], idx_blk)
    mid0 = wid * (BW // 128) * 4

    def chunk_body(ci, carry):
        p = ci & 1
        l0 = ci * LC
        cbuf = coded_s.at[p]

        @pl.when(ci > 1)
        def _():
            pltpu.make_async_copy(
                cbuf, coded_hbm.at[pl.ds(0, LC), pl.ds(mid0, 16)],
                sem_c.at[p]).wait()
            pltpu.make_async_copy(
                cbuf, mask_hbm.at[pl.ds(0, LC), pl.ds(mid0, 16)],
                sem_m.at[p]).wait()

        @plsc.parallel_loop(0, LC * (BW // 128) * (128 // LANES), unroll=8)
        def _(i):
            l_i = i >> 5
            bt2 = (i >> 3) & 3
            g = i & 7
            bidx = (bt2 * 128 + g * LANES) * L + (l0 + l_i) + lanesL
            gi4 = plsc.load_gather(idx_blk, [bidx]) << 2
            for ch in range(4):
                vals = plsc.load_gather(tab_v, [gi4 + (LANES + ch)])
                cbuf[l_i, bt2 * 4 + ch, pl.ds(g * LANES, LANES)] = vals

        pltpu.async_copy(
            cbuf, coded_hbm.at[pl.ds(l0, LC), pl.ds(mid0, 16)], sem_c.at[p])
        pltpu.async_copy(
            cbuf, mask_hbm.at[pl.ds(l0, LC), pl.ds(mid0, 16)], sem_m.at[p])
        return carry
    lax.fori_loop(0, L // LC, chunk_body, 0)

    for p in range(2):
        cbuf = coded_s.at[p]
        pltpu.make_async_copy(
            cbuf, coded_hbm.at[pl.ds(0, LC), pl.ds(mid0, 16)],
            sem_c.at[p]).wait()
        pltpu.make_async_copy(
            cbuf, mask_hbm.at[pl.ds(0, LC), pl.ds(mid0, 16)],
            sem_m.at[p]).wait()


def _tc_embed_body(tab_ref, out0_ref, out1_ref, pat_ref):
    @pl.when(pl.program_id(0) == 0)
    def _():
        mid = lax.broadcasted_iota(jnp.int32, (2048, 128), 0)
        e = (mid // 1024) * 8 + (mid % 8)
        acc = jnp.zeros((2048, 128), jnp.float32)
        for i in range(16):
            acc = jnp.where(e == i, tab_ref[i], acc)
        pat_ref[...] = acc
    pat = pat_ref[...]
    for r in range(4):
        out0_ref[r] = pat
        out1_ref[r] = pat


def kernel(indices, labels, table):
    B, L = indices.shape
    assert B == NW * BW
    assert L % (2 * LC) == 0
    BT = B // 128

    idx_flat = indices.astype(jnp.int32).reshape(B * L)
    tab_flat = table.reshape(16).astype(jnp.float32)

    mesh = plsc.VectorSubcoreMesh(core_axis_name="c", subcore_axis_name="s")
    body = lambda *args: _sc_body(B, L, *args)
    coded_x, mask_x, labels_o = pl.kernel(
        body,
        out_type=[
            jax.ShapeDtypeStruct((L, BT * 4, 128), jnp.float32),
            jax.ShapeDtypeStruct((L, BT * 4, 128), jnp.float32),
            jax.ShapeDtypeStruct((B,), jnp.float32),
        ],
        mesh=mesh,
        compiler_params=pltpu.CompilerParams(needs_layout_passes=False),
        scratch_types=[
            pltpu.VMEM((BW * L,), jnp.int32),
            pltpu.VMEM((2, LC, 16, 128), jnp.float32),
            pltpu.VMEM((2 * LANES,), jnp.float32),
            pltpu.VMEM((BW,), jnp.float32),
            pltpu.SemaphoreType.DMA((2,)),
            pltpu.SemaphoreType.DMA((2,)),
        ],
    )(idx_flat, tab_flat, labels)

    e0, e1 = pl.pallas_call(
        _tc_embed_body,
        grid=(L // 8,),
        in_specs=[pl.BlockSpec(memory_space=pltpu.SMEM)],
        out_specs=[pl.BlockSpec((4, BT * 16, 128), lambda i: (i, 0, 0)),
                   pl.BlockSpec((4, BT * 16, 128), lambda i: (i, 0, 0))],
        out_shape=[jax.ShapeDtypeStruct((L // 2, BT * 16, 128), jnp.float32),
                   jax.ShapeDtypeStruct((L // 2, BT * 16, 128), jnp.float32)],
        scratch_shapes=[pltpu.VMEM((BT * 16, 128), jnp.float32)],
    )(tab_flat)
    embed_x = jnp.concatenate([e0, e1], axis=0)

    coded = (coded_x.reshape(L, BT, 4, 128).transpose(1, 3, 0, 2)
             .reshape(B, L, 4))
    embed = (embed_x.reshape(L, 2, BT, 8, 128).transpose(2, 4, 0, 1, 3)
             .reshape(B, L, 16))
    mask = (mask_x.reshape(L, BT, 4, 128).transpose(1, 3, 0, 2)
            .reshape(B, L, 4))
    return coded, embed, mask, labels_o

# --- scband reference (transcript-rebuilt; emitter-appended) ---
"""Pipeline reference for scband-data-generator-53437983096980 (READ-ONLY COPY).

The authoritative reference and input builder live on the scoring server;
editing this copy changes nothing except your own understanding.
"""

import jax, jax.numpy as jnp
import numpy as np

BATCH = 16384
SEQLEN = 200

def setup_inputs(seed: int = 0) -> dict:
    key = jax.random.key(seed)
    k1, k2 = jax.random.split(key)
    indices = jax.random.randint(k1, (BATCH, SEQLEN), 0, 4, dtype=jnp.int64 if jax.config.jax_enable_x64 else jnp.int32)
    labels = jax.random.normal(k2, (BATCH,), dtype=jnp.float32)
    # one-hot base embedding table: rows A, C, G, T (matches self.embedding in torch module)
    table = jnp.eye(4, dtype=jnp.float32)
    return {"indices": indices, "labels": labels, "table": table}

def reference(indices, labels, table):
    # coded_sequences: one-hot lookup per base -> [B, L, 4]
    coded = jnp.take(table, indices, axis=0)
    # embeddings_sequences: concat of all four base vectors broadcast to every position -> [B, L, 16]
    embed_vector = jnp.concatenate([table[0], table[1], table[2], table[3]], axis=0)
    B, L = indices.shape
    embeddings = jnp.broadcast_to(embed_vector, (B, L, 16))
    # mask_tensor: identical one-hot lookup (acgt dict equals self.embedding) -> [B, L, 4]
    mask = jnp.take(table, indices, axis=0)
    return coded, embeddings, mask, labels

if __name__ == "__main__":
    import jax
    _d = setup_inputs()
    print(jax.jit(kernel)(*tuple(_d.values())))

</pallas_src>

<mosaic_0001>
#map = affine_map<(d0, d1) -> (0)>
#map1 = affine_map<(d0, d1) -> (0, 0, 0)>
module attributes {stable_mosaic.version = 14 : i64} {
  func.func @_lambda_(%arg0: i32, %arg1: i32, %arg2: memref<3276800xi32, #tpu.memory_space<hbm>>, %arg3: memref<16xf32, #tpu.memory_space<hbm>>, %arg4: memref<16384xf32, #tpu.memory_space<hbm>>, %arg5: memref<200x512x128xf32, #tpu.memory_space<hbm>>, %arg6: memref<200x512x128xf32, #tpu.memory_space<hbm>>, %arg7: memref<16384xf32, #tpu.memory_space<hbm>>, %arg8: memref<102400xi32, #tpu.memory_space<vmem>>, %arg9: memref<2x5x16x128xf32, #tpu.memory_space<vmem>>, %arg10: memref<32xf32, #tpu.memory_space<vmem>>, %arg11: memref<512xf32, #tpu.memory_space<vmem>>, %arg12: memref<2x!tpu.dma_semaphore, #tpu.memory_space<semaphore_mem>>, %arg13: memref<2x!tpu.dma_semaphore, #tpu.memory_space<semaphore_mem>>) attributes {dimension_semantics = [#tpu.dimension_semantics<core_parallel>, #tpu.dimension_semantics<subcore_parallel>], iteration_bounds = array<i64: 2, 16>, scalar_prefetch = 0 : i64, scratch_operands = 6 : i64, tpu.core_type = #tpu.core_type<sc_vector_subcore>, window_params = [{transform_indices = #map}, {transform_indices = #map}, {transform_indices = #map}, {transform_indices = #map1}, {transform_indices = #map1}, {transform_indices = #map}]} {
    %mul3A = arith.constant 2 : i32
    %mul3A_0 = arith.muli %arg1, %mul3A : i32
    %add3A = arith.addi %mul3A_0, %arg0 : i32
    %mul3A_1 = arith.constant 512 : i32
    %mul3A_2 = arith.muli %add3A, %mul3A_1 : i32
    "tpu.region"() ({
      %run_scoped3A = tpu.sem_alloc : memref<!tpu.dma_semaphore, #tpu.memory_space<semaphore_mem>>
      %dma_start3A = tpu.memref_slice %arg4[%mul3A_2] : memref<16384xf32, #tpu.memory_space<hbm>> -> memref<512xf32, #tpu.memory_space<hbm>>
      %dma_start3A_100 = tpu.memref_slice %arg4[%mul3A_2] : memref<16384xf32, #tpu.memory_space<hbm>> -> memref<512xf32, #tpu.memory_space<hbm>>
      tpu.enqueue_dma source(%dma_start3A_100 : memref<512xf32, #tpu.memory_space<hbm>>) target(%arg11 : memref<512xf32, #tpu.memory_space<vmem>>) target_semaphore(%run_scoped3A : memref<!tpu.dma_semaphore, #tpu.memory_space<semaphore_mem>>)
      %dma_wait3A_101 = tpu.memref_slice %arg4[%mul3A_2] : memref<16384xf32, #tpu.memory_space<hbm>> -> memref<512xf32, #tpu.memory_space<hbm>>
      %dma_wait3A_102 = tpu.memref_slice %arg4[%mul3A_2] : memref<16384xf32, #tpu.memory_space<hbm>> -> memref<512xf32, #tpu.memory_space<hbm>>
      tpu.wait_dma2 semaphore(%run_scoped3A : memref<!tpu.dma_semaphore, #tpu.memory_space<semaphore_mem>>) src(%dma_wait3A_102 : memref<512xf32, #tpu.memory_space<hbm>>) dst(%arg11 : memref<512xf32, #tpu.memory_space<vmem>>)
      tpu.yield
    }) : () -> ()
    %mul3A_3 = arith.constant 512 : i32
    %mul3A_4 = arith.muli %add3A, %mul3A_3 : i32
    "tpu.region"() ({
      %run_scoped3A = tpu.sem_alloc : memref<!tpu.dma_semaphore, #tpu.memory_space<semaphore_mem>>
      %dma_start3A = tpu.memref_slice %arg7[%mul3A_4] : memref<16384xf32, #tpu.memory_space<hbm>> -> memref<512xf32, #tpu.memory_space<hbm>>
      %dma_start3A_100 = tpu.memref_slice %arg7[%mul3A_4] : memref<16384xf32, #tpu.memory_space<hbm>> -> memref<512xf32, #tpu.memory_space<hbm>>
      tpu.enqueue_dma source(%arg11 : memref<512xf32, #tpu.memory_space<vmem>>) target(%dma_start3A_100 : memref<512xf32, #tpu.memory_space<hbm>>) target_semaphore(%run_scoped3A : memref<!tpu.dma_semaphore, #tpu.memory_space<semaphore_mem>>)
      %dma_wait3A_101 = tpu.memref_slice %arg7[%mul3A_4] : memref<16384xf32, #tpu.memory_space<hbm>> -> memref<512xf32, #tpu.memory_space<hbm>>
      %dma_wait3A_102 = tpu.memref_slice %arg7[%mul3A_4] : memref<16384xf32, #tpu.memory_space<hbm>> -> memref<512xf32, #tpu.memory_space<hbm>>
      tpu.wait_dma2 semaphore(%run_scoped3A : memref<!tpu.dma_semaphore, #tpu.memory_space<semaphore_mem>>) src(%arg11 : memref<512xf32, #tpu.memory_space<vmem>>) dst(%dma_wait3A_102 : memref<512xf32, #tpu.memory_space<hbm>>)
      tpu.yield
    }) : () -> ()
    "tpu.region"() ({
      %run_scoped3A = tpu.sem_alloc : memref<!tpu.dma_semaphore, #tpu.memory_space<semaphore_mem>>
      %dma_start3A = arith.constant 16 : i32
      %dma_start3A_100 = tpu.memref_slice %arg10[%dma_start3A] : memref<32xf32, #tpu.memory_space<vmem>> -> memref<16xf32, #tpu.memory_space<vmem>>
      %dma_start3A_101 = arith.constant 16 : i32
      %dma_start3A_102 = tpu.memref_slice %arg10[%dma_start3A_101] : memref<32xf32, #tpu.memory_space<vmem>> -> memref<16xf32, #tpu.memory_space<vmem>>
      tpu.enqueue_dma source(%arg3 : memref<16xf32, #tpu.memory_space<hbm>>) target(%dma_start3A_102 : memref<16xf32, #tpu.memory_space<vmem>>) target_semaphore(%run_scoped3A : memref<!tpu.dma_semaphore, #tpu.memory_space<semaphore_mem>>)
      %dma_wait3A_103 = arith.constant 16 : i32
      %dma_wait3A_104 = tpu.memref_slice %arg10[%dma_wait3A_103] : memref<32xf32, #tpu.memory_space<vmem>> -> memref<16xf32, #tpu.memory_space<vmem>>
      %dma_wait3A_105 = arith.constant 16 : i32
      %dma_wait3A_106 = tpu.memref_slice %arg10[%dma_wait3A_105] : memref<32xf32, #tpu.memory_space<vmem>> -> memref<16xf32, #tpu.memory_space<vmem>>
      tpu.wait_dma2 semaphore(%run_scoped3A : memref<!tpu.dma_semaphore, #tpu.memory_space<semaphore_mem>>) src(%arg3 : memref<16xf32, #tpu.memory_space<hbm>>) dst(%dma_wait3A_106 : memref<16xf32, #tpu.memory_space<vmem>>)
      tpu.yield
    }) : () -> ()
    %iota3A = tpu.iota {dimensions = array<i32: 0>} : vector<16xi32>
    %mul3A_5 = arith.constant 200 : i32
    %mul3A_6 = vector.broadcast %mul3A_5 : i32 to vector<16xi32>
    %mul3A_7 = arith.muli %iota3A, %mul3A_6 : vector<16xi32>
    %mul3A_8 = arith.constant 512 : i32
    %mul3A_9 = arith.muli %add3A, %mul3A_8 : i32
    %mul3A_10 = arith.constant 200 : i32
    %mul3A_11 = arith.muli %mul3A_9, %mul3A_10 : i32
    "tpu.region"() ({
      %run_scoped3A = tpu.sem_alloc : memref<!tpu.dma_semaphore, #tpu.memory_space<semaphore_mem>>
      %dma_start3A = tpu.memref_slice %arg2[%mul3A_11] : memref<3276800xi32, #tpu.memory_space<hbm>> -> memref<102400xi32, #tpu.memory_space<hbm>>
      %dma_start3A_100 = tpu.memref_slice %arg2[%mul3A_11] : memref<3276800xi32, #tpu.memory_space<hbm>> -> memref<102400xi32, #tpu.memory_space<hbm>>
      tpu.enqueue_dma source(%dma_start3A_100 : memref<102400xi32, #tpu.memory_space<hbm>>) target(%arg8 : memref<102400xi32, #tpu.memory_space<vmem>>) target_semaphore(%run_scoped3A : memref<!tpu.dma_semaphore, #tpu.memory_space<semaphore_mem>>)
      %dma_wait3A_101 = tpu.memref_slice %arg2[%mul3A_11] : memref<3276800xi32, #tpu.memory_space<hbm>> -> memref<102400xi32, #tpu.memory_space<hbm>>
      %dma_wait3A_102 = tpu.memref_slice %arg2[%mul3A_11] : memref<3276800xi32, #tpu.memory_space<hbm>> -> memref<102400xi32, #tpu.memory_space<hbm>>
      tpu.wait_dma2 semaphore(%run_scoped3A : memref<!tpu.dma_semaphore, #tpu.memory_space<semaphore_mem>>) src(%dma_wait3A_102 : memref<102400xi32, #tpu.memory_space<hbm>>) dst(%arg8 : memref<102400xi32, #tpu.memory_space<vmem>>)
      tpu.yield
    }) : () -> ()
    %mul3A_12 = arith.constant 4 : i32
    %mul3A_13 = arith.muli %add3A, %mul3A_12 : i32
    %mul3A_14 = arith.constant 4 : i32
    %mul3A_15 = arith.muli %mul3A_13, %mul3A_14 : i32
    %scan3A = arith.constant 0 : i32
    %scan3A_16 = arith.constant 0 : i32
    %scan3A_17 = arith.constant 40 : i32
    %scan3A_18 = arith.addi %scan3A_16, %scan3A_17 : i32
    %scan3A_19 = arith.constant 1 : i32
    scf.for %scan3A_100 = %scan3A_16 to %scan3A_18 step %scan3A_19  : i32 {
      %and3A = arith.constant 1 : i32
      %and3A_101 = arith.andi %scan3A_100, %and3A : i32
      %mul3A_102 = arith.constant 5 : i32
      %mul3A_103 = arith.muli %scan3A_100, %mul3A_102 : i32
      %gt3A = arith.constant 1 : i32
      %gt3A_104 = arith.cmpi sgt, %scan3A_100, %gt3A : i32
      %convert_element_type3A = arith.extui %gt3A_104 : i1 to i32
      %cond3A = arith.constant 0 : i32
      %cond3A_105 = arith.cmpi ne, %convert_element_type3A, %cond3A : i32
      scf.if %cond3A_105 {
        %dma_wait3A_139 = arith.constant 0 : i32
        %dma_wait3A_140 = arith.constant 0 : i32
        %dma_wait3A_141 = arith.constant 0 : i32
        %dma_wait3A_142 = tpu.memref_slice %arg9[%and3A_101, %dma_wait3A_139, %dma_wait3A_140, %dma_wait3A_141] : memref<2x5x16x128xf32, #tpu.memory_space<vmem>> -> memref<1x5x16x128xf32, #tpu.memory_space<vmem>>
        %dma_wait3A_143 = tpu.memref_squeeze %dma_wait3A_142 : memref<1x5x16x128xf32, #tpu.memory_space<vmem>> -> memref<5x16x128xf32, #tpu.memory_space<vmem>>
        %dma_wait3A_144 = arith.constant 0 : i32
        %dma_wait3A_145 = arith.constant 0 : i32
        %dma_wait3A_146 = tpu.memref_slice %arg5[%dma_wait3A_144, %mul3A_15, %dma_wait3A_145] : memref<200x512x128xf32, #tpu.memory_space<hbm>> -> memref<5x16x128xf32, #tpu.memory_space<hbm>>
        %dma_wait3A_147 = tpu.memref_slice %arg12[%and3A_101] : memref<2x!tpu.dma_semaphore, #tpu.memory_space<semaphore_mem>> -> memref<1x!tpu.dma_semaphore, #tpu.memory_space<semaphore_mem>>
        %dma_wait3A_148 = tpu.memref_squeeze %dma_wait3A_147 : memref<1x!tpu.dma_semaphore, #tpu.memory_space<semaphore_mem>> -> memref<!tpu.dma_semaphore, #tpu.memory_space<semaphore_mem>>
        %dma_wait3A_149 = arith.constant 0 : i32
        %dma_wait3A_150 = arith.constant 0 : i32
        %dma_wait3A_151 = tpu.memref_slice %arg5[%dma_wait3A_149, %mul3A_15, %dma_wait3A_150] : memref<200x512x128xf32, #tpu.memory_space<hbm>> -> memref<5x16x128xf32, #tpu.memory_space<hbm>>
        %dma_wait3A_152 = arith.constant 0 : i32
        %dma_wait3A_153 = arith.constant 0 : i32
        %dma_wait3A_154 = arith.constant 0 : i32
        %dma_wait3A_155 = tpu.memref_slice %arg9[%and3A_101, %dma_wait3A_152, %dma_wait3A_153, %dma_wait3A_154] : memref<2x5x16x128xf32, #tpu.memory_space<vmem>> -> memref<1x5x16x128xf32, #tpu.memory_space<vmem>>
        %dma_wait3A_156 = tpu.memref_squeeze %dma_wait3A_155 : memref<1x5x16x128xf32, #tpu.memory_space<vmem>> -> memref<5x16x128xf32, #tpu.memory_space<vmem>>
        tpu.wait_dma2 semaphore(%dma_wait3A_148 : memref<!tpu.dma_semaphore, #tpu.memory_space<semaphore_mem>>) src(%dma_wait3A_156 : memref<5x16x128xf32, #tpu.memory_space<vmem>>) dst(%dma_wait3A_151 : memref<5x16x128xf32, #tpu.memory_space<hbm>>)
        %dma_wait3A_157 = arith.constant 0 : i32
        %dma_wait3A_158 = arith.constant 0 : i32
        %dma_wait3A_159 = arith.constant 0 : i32
        %dma_wait3A_160 = tpu.memref_slice %arg9[%and3A_101, %dma_wait3A_157, %dma_wait3A_158, %dma_wait3A_159] : memref<2x5x16x128xf32, #tpu.memory_space<vmem>> -> memref<1x5x16x128xf32, #tpu.memory_space<vmem>>
        %dma_wait3A_161 = tpu.memref_squeeze %dma_wait3A_160 : memref<1x5x16x128xf32, #tpu.memory_space<vmem>> -> memref<5x16x128xf32, #tpu.memory_space<vmem>>
        %dma_wait3A_162 = arith.constant 0 : i32
        %dma_wait3A_163 = arith.constant 0 : i32
        %dma_wait3A_164 = tpu.memref_slice %arg6[%dma_wait3A_162, %mul3A_15, %dma_wait3A_163] : memref<200x512x128xf32, #tpu.memory_space<hbm>> -> memref<5x16x128xf32, #tpu.memory_space<hbm>>
        %dma_wait3A_165 = tpu.memref_slice %arg13[%and3A_101] : memref<2x!tpu.dma_semaphore, #tpu.memory_space<semaphore_mem>> -> memref<1x!tpu.dma_semaphore, #tpu.memory_space<semaphore_mem>>
        %dma_wait3A_166 = tpu.memref_squeeze %dma_wait3A_165 : memref<1x!tpu.dma_semaphore, #tpu.memory_space<semaphore_mem>> -> memref<!tpu.dma_semaphore, #tpu.memory_space<semaphore_mem>>
        %dma_wait3A_167 = arith.constant 0 : i32
        %dma_wait3A_168 = arith.constant 0 : i32
        %dma_wait3A_169 = tpu.memref_slice %arg6[%dma_wait3A_167, %mul3A_15, %dma_wait3A_168] : memref<200x512x128xf32, #tpu.memory_space<hbm>> -> memref<5x16x128xf32, #tpu.memory_space<hbm>>
        %dma_wait3A_170 = arith.constant 0 : i32
        %dma_wait3A_171 = arith.constant 0 : i32
        %dma_wait3A_172 = arith.constant 0 : i32
        %dma_wait3A_173 = tpu.memref_slice %arg9[%and3A_101, %dma_wait3A_170, %dma_wait3A_171, %dma_wait3A_172] : memref<2x5x16x128xf32, #tpu.memory_space<vmem>> -> memref<1x5x16x128xf32, #tpu.memory_space<vmem>>
        %dma_wait3A_174 = tpu.memref_squeeze %dma_wait3A_173 : memref<1x5x16x128xf32, #tpu.memory_space<vmem>> -> memref<5x16x128xf32, #tpu.memory_space<vmem>>
        tpu.wait_dma2 semaphore(%dma_wait3A_166 : memref<!tpu.dma_semaphore, #tpu.memory_space<semaphore_mem>>) src(%dma_wait3A_174 : memref<5x16x128xf32, #tpu.memory_space<vmem>>) dst(%dma_wait3A_169 : memref<5x16x128xf32, #tpu.memory_space<hbm>>)
      } else {
      }
      %parallel_loop3A = arith.constant 0 : i32
      %parallel_loop3A_106 = arith.constant 160 : i32
      %parallel_loop3A_107 = arith.constant 1 : i32
      scf.for %parallel_loop3A_139 = %parallel_loop3A to %parallel_loop3A_106 step %parallel_loop3A_107  : i32 {
        %parallel_loop3A_140 = arith.constant 5 : i32
        %parallel_loop3A_141 = arith.shrsi %parallel_loop3A_139, %parallel_loop3A_140 : i32
        %parallel_loop3A_142 = arith.constant 3 : i32
        %parallel_loop3A_143 = arith.shrsi %parallel_loop3A_139, %parallel_loop3A_142 : i32
        %parallel_loop3A_144 = arith.constant 3 : i32
        %parallel_loop3A_145 = arith.andi %parallel_loop3A_143, %parallel_loop3A_144 : i32
        %parallel_loop3A_146 = arith.constant 7 : i32
        %parallel_loop3A_147 = arith.andi %parallel_loop3A_139, %parallel_loop3A_146 : i32
        %parallel_loop3A_148 = arith.constant 128 : i32
        %parallel_loop3A_149 = arith.muli %parallel_loop3A_145, %parallel_loop3A_148 : i32
        %parallel_loop3A_150 = arith.constant 16 : i32
        %parallel_loop3A_151 = arith.muli %parallel_loop3A_147, %parallel_loop3A_150 : i32
        %parallel_loop3A_152 = arith.addi %parallel_loop3A_149, %parallel_loop3A_151 : i32
        %parallel_loop3A_153 = arith.constant 200 : i32
        %parallel_loop3A_154 = arith.muli %parallel_loop3A_152, %parallel_loop3A_153 : i32
        %parallel_loop3A_155 = arith.addi %mul3A_103, %parallel_loop3A_141 : i32
        %parallel_loop3A_156 = arith.addi %parallel_loop3A_154, %parallel_loop3A_155 : i32
        %parallel_loop3A_157 = vector.broadcast %parallel_loop3A_156 : i32 to vector<16xi32>
        %parallel_loop3A_158 = arith.addi %parallel_loop3A_157, %mul3A_7 : vector<16xi32>
        %parallel_loop3A_159 = tpu.vector_load_idx %arg8[%parallel_loop3A_158] : memref<102400xi32, #tpu.memory_space<vmem>>[vector<16xi32>], vector<16xi32>,
        %parallel_loop3A_160 = arith.constant 2 : i32
        %parallel_loop3A_161 = vector.broadcast %parallel_loop3A_160 : i32 to vector<16xi32>
        %parallel_loop3A_162 = arith.shli %parallel_loop3A_159, %parallel_loop3A_161 : vector<16xi32>
        %parallel_loop3A_163 = arith.constant 16 : i32
        %parallel_loop3A_164 = vector.broadcast %parallel_loop3A_163 : i32 to vector<16xi32>
        %parallel_loop3A_165 = arith.addi %parallel_loop3A_162, %parallel_loop3A_164 : vector<16xi32>
        %parallel_loop3A_166 = tpu.vector_load_idx %arg10[%parallel_loop3A_165] : memref<32xf32, #tpu.memory_space<vmem>>[vector<16xi32>], vector<16xf32>,
        %parallel_loop3A_167 = arith.constant 4 : i32
        %parallel_loop3A_168 = arith.muli %parallel_loop3A_145, %parallel_loop3A_167 : i32
        %parallel_loop3A_169 = arith.constant 0 : i32
        %parallel_loop3A_170 = arith.addi %parallel_loop3A_168, %parallel_loop3A_169 : i32
        %parallel_loop3A_171 = arith.constant 16 : i32
        %parallel_loop3A_172 = arith.muli %parallel_loop3A_147, %parallel_loop3A_171 : i32
        %parallel_loop3A_173 = arith.constant 0 : i32
        %parallel_loop3A_174 = arith.constant 0 : i32
        %parallel_loop3A_175 = arith.constant 0 : i32
        %parallel_loop3A_176 = tpu.memref_slice %arg9[%and3A_101, %parallel_loop3A_173, %parallel_loop3A_174, %parallel_loop3A_175] : memref<2x5x16x128xf32, #tpu.memory_space<vmem>> -> memref<1x5x16x128xf32, #tpu.memory_space<vmem>>
        %parallel_loop3A_177 = tpu.memref_squeeze %parallel_loop3A_176 : memref<1x5x16x128xf32, #tpu.memory_space<vmem>> -> memref<5x16x128xf32, #tpu.memory_space<vmem>>
        %parallel_loop3A_178 = arith.index_cast %parallel_loop3A_141 : i32 to index
        %parallel_loop3A_179 = arith.index_cast %parallel_loop3A_170 : i32 to index
        %parallel_loop3A_180 = arith.index_cast %parallel_loop3A_172 : i32 to index
        %parallel_loop3A_181 = tpu.vector_load %parallel_loop3A_177[%parallel_loop3A_178, %parallel_loop3A_179, %parallel_loop3A_180] {strides = array<i32>} : memref<5x16x128xf32, #tpu.memory_space<vmem>>, vector<16xf32>,
        tpu.vector_store %parallel_loop3A_177[%parallel_loop3A_178, %parallel_loop3A_179, %parallel_loop3A_180], %parallel_loop3A_166 {strides = array<i32>} : memref<5x16x128xf32, #tpu.memory_space<vmem>>, vector<16xf32>,
        %parallel_loop3A_182 = arith.constant 17 : i32
        %parallel_loop3A_183 = vector.broadcast %parallel_loop3A_182 : i32 to vector<16xi32>
        %parallel_loop3A_184 = arith.addi %parallel_loop3A_162, %parallel_loop3A_183 : vector<16xi32>
        %parallel_loop3A_185 = tpu.vector_load_idx %arg10[%parallel_loop3A_184] : memref<32xf32, #tpu.memory_space<vmem>>[vector<16xi32>], vector<16xf32>,
        %parallel_loop3A_186 = arith.constant 4 : i32
        %parallel_loop3A_187 = arith.muli %parallel_loop3A_145, %parallel_loop3A_186 : i32
        %parallel_loop3A_188 = arith.constant 1 : i32
        %parallel_loop3A_189 = arith.addi %parallel_loop3A_187, %parallel_loop3A_188 : i32
        %parallel_loop3A_190 = arith.constant 16 : i32
        %parallel_loop3A_191 = arith.muli %parallel_loop3A_147, %parallel_loop3A_190 : i32
        %parallel_loop3A_192 = arith.constant 0 : i32
        %parallel_loop3A_193 = arith.constant 0 : i32
        %parallel_loop3A_194 = arith.constant 0 : i32
        %parallel_loop3A_195 = tpu.memref_slice %arg9[%and3A_101, %parallel_loop3A_192, %parallel_loop3A_193, %parallel_loop3A_194] : memref<2x5x16x128xf32, #tpu.memory_space<vmem>> -> memref<1x5x16x128xf32, #tpu.memory_space<vmem>>
        %parallel_loop3A_196 = tpu.memref_squeeze %parallel_loop3A_195 : memref<1x5x16x128xf32, #tpu.memory_space<vmem>> -> memref<5x16x128xf32, #tpu.memory_space<vmem>>
        %parallel_loop3A_197 = arith.index_cast %parallel_loop3A_141 : i32 to index
        %parallel_loop3A_198 = arith.index_cast %parallel_loop3A_189 : i32 to index
        %parallel_loop3A_199 = arith.index_cast %parallel_loop3A_191 : i32 to index
        %parallel_loop3A_200 = tpu.vector_load %parallel_loop3A_196[%parallel_loop3A_197, %parallel_loop3A_198, %parallel_loop3A_199] {strides = array<i32>} : memref<5x16x128xf32, #tpu.memory_space<vmem>>, vector<16xf32>,
        tpu.vector_store %parallel_loop3A_196[%parallel_loop3A_197, %parallel_loop3A_198, %parallel_loop3A_199], %parallel_loop3A_185 {strides = array<i32>} : memref<5x16x128xf32, #tpu.memory_space<vmem>>, vector<16xf32>,
        %parallel_loop3A_201 = arith.constant 18 : i32
        %parallel_loop3A_202 = vector.broadcast %parallel_loop3A_201 : i32 to vector<16xi32>
        %parallel_loop3A_203 = arith.addi %parallel_loop3A_162, %parallel_loop3A_202 : vector<16xi32>
        %parallel_loop3A_204 = tpu.vector_load_idx %arg10[%parallel_loop3A_203] : memref<32xf32, #tpu.memory_space<vmem>>[vector<16xi32>], vector<16xf32>,
        %parallel_loop3A_205 = arith.constant 4 : i32
        %parallel_loop3A_206 = arith.muli %parallel_loop3A_145, %parallel_loop3A_205 : i32
        %parallel_loop3A_207 = arith.constant 2 : i32
        %parallel_loop3A_208 = arith.addi %parallel_loop3A_206, %parallel_loop3A_207 : i32
        %parallel_loop3A_209 = arith.constant 16 : i32
        %parallel_loop3A_210 = arith.muli %parallel_loop3A_147, %parallel_loop3A_209 : i32
        %parallel_loop3A_211 = arith.constant 0 : i32
        %parallel_loop3A_212 = arith.constant 0 : i32
        %parallel_loop3A_213 = arith.constant 0 : i32
        %parallel_loop3A_214 = tpu.memref_slice %arg9[%and3A_101, %parallel_loop3A_211, %parallel_loop3A_212, %parallel_loop3A_213] : memref<2x5x16x128xf32, #tpu.memory_space<vmem>> -> memref<1x5x16x128xf32, #tpu.memory_space<vmem>>
        %parallel_loop3A_215 = tpu.memref_squeeze %parallel_loop3A_214 : memref<1x5x16x128xf32, #tpu.memory_space<vmem>> -> memref<5x16x128xf32, #tpu.memory_space<vmem>>
        %parallel_loop3A_216 = arith.index_cast %parallel_loop3A_141 : i32 to index
        %parallel_loop3A_217 = arith.index_cast %parallel_loop3A_208 : i32 to index
        %parallel_loop3A_218 = arith.index_cast %parallel_loop3A_210 : i32 to index
        %parallel_loop3A_219 = tpu.vector_load %parallel_loop3A_215[%parallel_loop3A_216, %parallel_loop3A_217, %parallel_loop3A_218] {strides = array<i32>} : memref<5x16x128xf32, #tpu.memory_space<vmem>>, vector<16xf32>,
        tpu.vector_store %parallel_loop3A_215[%parallel_loop3A_216, %parallel_loop3A_217, %parallel_loop3A_218], %parallel_loop3A_204 {strides = array<i32>} : memref<5x16x128xf32, #tpu.memory_space<vmem>>, vector<16xf32>,
        %parallel_loop3A_220 = arith.constant 19 : i32
        %parallel_loop3A_221 = vector.broadcast %parallel_loop3A_220 : i32 to vector<16xi32>
        %parallel_loop3A_222 = arith.addi %parallel_loop3A_162, %parallel_loop3A_221 : vector<16xi32>
        %parallel_loop3A_223 = tpu.vector_load_idx %arg10[%parallel_loop3A_222] : memref<32xf32, #tpu.memory_space<vmem>>[vector<16xi32>], vector<16xf32>,
        %parallel_loop3A_224 = arith.constant 4 : i32
        %parallel_loop3A_225 = arith.muli %parallel_loop3A_145, %parallel_loop3A_224 : i32
        %parallel_loop3A_226 = arith.constant 3 : i32
        %parallel_loop3A_227 = arith.addi %parallel_loop3A_225, %parallel_loop3A_226 : i32
        %parallel_loop3A_228 = arith.constant 16 : i32
        %parallel_loop3A_229 = arith.muli %parallel_loop3A_147, %parallel_loop3A_228 : i32
        %parallel_loop3A_230 = arith.constant 0 : i32
        %parallel_loop3A_231 = arith.constant 0 : i32
        %parallel_loop3A_232 = arith.constant 0 : i32
        %parallel_loop3A_233 = tpu.memref_slice %arg9[%and3A_101, %parallel_loop3A_230, %parallel_loop3A_231, %parallel_loop3A_232] : memref<2x5x16x128xf32, #tpu.memory_space<vmem>> -> memref<1x5x16x128xf32, #tpu.memory_space<vmem>>
        %parallel_loop3A_234 = tpu.memref_squeeze %parallel_loop3A_233 : memref<1x5x16x128xf32, #tpu.memory_space<vmem>> -> memref<5x16x128xf32, #tpu.memory_space<vmem>>
        %parallel_loop3A_235 = arith.index_cast %parallel_loop3A_141 : i32 to index
        %parallel_loop3A_236 = arith.index_cast %parallel_loop3A_227 : i32 to index
        %parallel_loop3A_237 = arith.index_cast %parallel_loop3A_229 : i32 to index
        %parallel_loop3A_238 = tpu.vector_load %parallel_loop3A_234[%parallel_loop3A_235, %parallel_loop3A_236, %parallel_loop3A_237] {strides = array<i32>} : memref<5x16x128xf32, #tpu.memory_space<vmem>>, vector<16xf32>,
        tpu.vector_store %parallel_loop3A_234[%parallel_loop3A_235, %parallel_loop3A_236, %parallel_loop3A_237], %parallel_loop3A_223 {strides = array<i32>} : memref<5x16x128xf32, #tpu.memory_space<vmem>>, vector<16xf32>,
      } {sc.loop_unroll_factor = 8 : i64, sc.parallel_access}
      %dma_start3A = arith.constant 0 : i32
      %dma_start3A_108 = arith.constant 0 : i32
      %dma_start3A_109 = arith.constant 0 : i32
      %dma_start3A_110 = tpu.memref_slice %arg9[%and3A_101, %dma_start3A, %dma_start3A_108, %dma_start3A_109] : memref<2x5x16x128xf32, #tpu.memory_space<vmem>> -> memref<1x5x16x128xf32, #tpu.memory_space<vmem>>
      %dma_start3A_111 = tpu.memref_squeeze %dma_start3A_110 : memref<1x5x16x128xf32, #tpu.memory_space<vmem>> -> memref<5x16x128xf32, #tpu.memory_space<vmem>>
      %dma_start3A_112 = arith.constant 0 : i32
      %dma_start3A_113 = tpu.memref_slice %arg5[%mul3A_103, %mul3A_15, %dma_start3A_112] : memref<200x512x128xf32, #tpu.memory_space<hbm>> -> memref<5x16x128xf32, #tpu.memory_space<hbm>>
      %dma_start3A_114 = tpu.memref_slice %arg12[%and3A_101] : memref<2x!tpu.dma_semaphore, #tpu.memory_space<semaphore_mem>> -> memref<1x!tpu.dma_semaphore, #tpu.memory_space<semaphore_mem>>
      %dma_start3A_115 = tpu.memref_squeeze %dma_start3A_114 : memref<1x!tpu.dma_semaphore, #tpu.memory_space<semaphore_mem>> -> memref<!tpu.dma_semaphore, #tpu.memory_space<semaphore_mem>>
      %dma_start3A_116 = arith.constant 0 : i32
      %dma_start3A_117 = tpu.memref_slice %arg5[%mul3A_103, %mul3A_15, %dma_start3A_116] : memref<200x512x128xf32, #tpu.memory_space<hbm>> -> memref<5x16x128xf32, #tpu.memory_space<hbm>>
      %dma_start3A_118 = arith.constant 0 : i32
      %dma_start3A_119 = arith.constant 0 : i32
      %dma_start3A_120 = arith.constant 0 : i32
      %dma_start3A_121 = tpu.memref_slice %arg9[%and3A_101, %dma_start3A_118, %dma_start3A_119, %dma_start3A_120] : memref<2x5x16x128xf32, #tpu.memory_space<vmem>> -> memref<1x5x16x128xf32, #tpu.memory_space<vmem>>
      %dma_start3A_122 = tpu.memref_squeeze %dma_start3A_121 : memref<1x5x16x128xf32, #tpu.memory_space<vmem>> -> memref<5x16x128xf32, #tpu.memory_space<vmem>>
      tpu.enqueue_dma source(%dma_start3A_122 : memref<5x16x128xf32, #tpu.memory_space<vmem>>) target(%dma_start3A_117 : memref<5x16x128xf32, #tpu.memory_space<hbm>>) target_semaphore(%dma_start3A_115 : memref<!tpu.dma_semaphore, #tpu.memory_space<semaphore_mem>>)
      %dma_start3A_123 = arith.constant 0 : i32
      %dma_start3A_124 = arith.constant 0 : i32
      %dma_start3A_125 = arith.constant 0 : i32
      %dma_start3A_126 = tpu.memref_slice %arg9[%and3A_101, %dma_start3A_123, %dma_start3A_124, %dma_start3A_125] : memref<2x5x16x128xf32, #tpu.memory_space<vmem>> -> memref<1x5x16x128xf32, #tpu.memory_space<vmem>>
      %dma_start3A_127 = tpu.memref_squeeze %dma_start3A_126 : memref<1x5x16x128xf32, #tpu.memory_space<vmem>> -> memref<5x16x128xf32, #tpu.memory_space<vmem>>
      %dma_start3A_128 = arith.constant 0 : i32
      %dma_start3A_129 = tpu.memref_slice %arg6[%mul3A_103, %mul3A_15, %dma_start3A_128] : memref<200x512x128xf32, #tpu.memory_space<hbm>> -> memref<5x16x128xf32, #tpu.memory_space<hbm>>
      %dma_start3A_130 = tpu.memref_slice %arg13[%and3A_101] : memref<2x!tpu.dma_semaphore, #tpu.memory_space<semaphore_mem>> -> memref<1x!tpu.dma_semaphore, #tpu.memory_space<semaphore_mem>>
      %dma_start3A_131 = tpu.memref_squeeze %dma_start3A_130 : memref<1x!tpu.dma_semaphore, #tpu.memory_space<semaphore_mem>> -> memref<!tpu.dma_semaphore, #tpu.memory_space<semaphore_mem>>
      %dma_start3A_132 = arith.constant 0 : i32
      %dma_start3A_133 = tpu.memref_slice %arg6[%mul3A_103, %mul3A_15, %dma_start3A_132] : memref<200x512x128xf32, #tpu.memory_space<hbm>> -> memref<5x16x128xf32, #tpu.memory_space<hbm>>
      %dma_start3A_134 = arith.constant 0 : i32
      %dma_start3A_135 = arith.constant 0 : i32
      %dma_start3A_136 = arith.constant 0 : i32
      %dma_start3A_137 = tpu.memref_slice %arg9[%and3A_101, %dma_start3A_134, %dma_start3A_135, %dma_start3A_136] : memref<2x5x16x128xf32, #tpu.memory_space<vmem>> -> memref<1x5x16x128xf32, #tpu.memory_space<vmem>>
      %dma_start3A_138 = tpu.memref_squeeze %dma_start3A_137 : memref<1x5x16x128xf32, #tpu.memory_space<vmem>> -> memref<5x16x128xf32, #tpu.memory_space<vmem>>
      tpu.enqueue_dma source(%dma_start3A_138 : memref<5x16x128xf32, #tpu.memory_space<vmem>>) target(%dma_start3A_133 : memref<5x16x128xf32, #tpu.memory_space<hbm>>) target_semaphore(%dma_start3A_131 : memref<!tpu.dma_semaphore, #tpu.memory_space<semaphore_mem>>)
    }
    %scan3A_20 = arith.constant 40 : i32
    %dma_wait3A = arith.constant 0 : i32
    %dma_wait3A_21 = arith.constant 0 : i32
    %dma_wait3A_22 = arith.constant 0 : i32
    %dma_wait3A_23 = arith.constant 0 : i32
    %dma_wait3A_24 = arith.constant 0 : i32
    %dma_wait3A_25 = tpu.memref_slice %arg9[%dma_wait3A, %dma_wait3A_22, %dma_wait3A_23, %dma_wait3A_24] : memref<2x5x16x128xf32, #tpu.memory_space<vmem>> -> memref<1x5x16x128xf32, #tpu.memory_space<vmem>>
    %dma_wait3A_26 = tpu.memref_squeeze %dma_wait3A_25 : memref<1x5x16x128xf32, #tpu.memory_space<vmem>> -> memref<5x16x128xf32, #tpu.memory_space<vmem>>
    %dma_wait3A_27 = arith.constant 0 : i32
    %dma_wait3A_28 = arith.constant 0 : i32
    %dma_wait3A_29 = tpu.memref_slice %arg5[%dma_wait3A_27, %mul3A_15, %dma_wait3A_28] : memref<200x512x128xf32, #tpu.memory_space<hbm>> -> memref<5x16x128xf32, #tpu.memory_space<hbm>>
    %dma_wait3A_30 = tpu.memref_slice %arg12[%dma_wait3A_21] : memref<2x!tpu.dma_semaphore, #tpu.memory_space<semaphore_mem>> -> memref<1x!tpu.dma_semaphore, #tpu.memory_space<semaphore_mem>>
    %dma_wait3A_31 = tpu.memref_squeeze %dma_wait3A_30 : memref<1x!tpu.dma_semaphore, #tpu.memory_space<semaphore_mem>> -> memref<!tpu.dma_semaphore, #tpu.memory_space<semaphore_mem>>
    %dma_wait3A_32 = arith.constant 0 : i32
    %dma_wait3A_33 = arith.constant 0 : i32
    %dma_wait3A_34 = tpu.memref_slice %arg5[%dma_wait3A_32, %mul3A_15, %dma_wait3A_33] : memref<200x512x128xf32, #tpu.memory_space<hbm>> -> memref<5x16x128xf32, #tpu.memory_space<hbm>>
    %dma_wait3A_35 = arith.constant 0 : i32
    %dma_wait3A_36 = arith.constant 0 : i32
    %dma_wait3A_37 = arith.constant 0 : i32
    %dma_wait3A_38 = tpu.memref_slice %arg9[%dma_wait3A, %dma_wait3A_35, %dma_wait3A_36, %dma_wait3A_37] : memref<2x5x16x128xf32, #tpu.memory_space<vmem>> -> memref<1x5x16x128xf32, #tpu.memory_space<vmem>>
    %dma_wait3A_39 = tpu.memref_squeeze %dma_wait3A_38 : memref<1x5x16x128xf32, #tpu.memory_space<vmem>> -> memref<5x16x128xf32, #tpu.memory_space<vmem>>
    tpu.wait_dma2 semaphore(%dma_wait3A_31 : memref<!tpu.dma_semaphore, #tpu.memory_space<semaphore_mem>>) src(%dma_wait3A_39 : memref<5x16x128xf32, #tpu.memory_space<vmem>>) dst(%dma_wait3A_34 : memref<5x16x128xf32, #tpu.memory_space<hbm>>)
    %dma_wait3A_40 = arith.constant 0 : i32
    %dma_wait3A_41 = arith.constant 0 : i32
    %dma_wait3A_42 = arith.constant 0 : i32
    %dma_wait3A_43 = arith.constant 0 : i32
    %dma_wait3A_44 = arith.constant 0 : i32
    %dma_wait3A_45 = tpu.memref_slice %arg9[%dma_wait3A_40, %dma_wait3A_42, %dma_wait3A_43, %dma_wait3A_44] : memref<2x5x16x128xf32, #tpu.memory_space<vmem>> -> memref<1x5x16x128xf32, #tpu.memory_space<vmem>>
    %dma_wait3A_46 = tpu.memref_squeeze %dma_wait3A_45 : memref<1x5x16x128xf32, #tpu.memory_space<vmem>> -> memref<5x16x128xf32, #tpu.memory_space<vmem>>
    %dma_wait3A_47 = arith.constant 0 : i32
    %dma_wait3A_48 = arith.constant 0 : i32
    %dma_wait3A_49 = tpu.memref_slice %arg6[%dma_wait3A_47, %mul3A_15, %dma_wait3A_48] : memref<200x512x128xf32, #tpu.memory_space<hbm>> -> memref<5x16x128xf32, #tpu.memory_space<hbm>>
    %dma_wait3A_50 = tpu.memref_slice %arg13[%dma_wait3A_41] : memref<2x!tpu.dma_semaphore, #tpu.memory_space<semaphore_mem>> -> memref<1x!tpu.dma_semaphore, #tpu.memory_space<semaphore_mem>>
    %dma_wait3A_51 = tpu.memref_squeeze %dma_wait3A_50 : memref<1x!tpu.dma_semaphore, #tpu.memory_space<semaphore_mem>> -> memref<!tpu.dma_semaphore, #tpu.memory_space<semaphore_mem>>
    %dma_wait3A_52 = arith.constant 0 : i32
    %dma_wait3A_53 = arith.constant 0 : i32
    %dma_wait3A_54 = tpu.memref_slice %arg6[%dma_wait3A_52, %mul3A_15, %dma_wait3A_53] : memref<200x512x128xf32, #tpu.memory_space<hbm>> -> memref<5x16x128xf32, #tpu.memory_space<hbm>>
    %dma_wait3A_55 = arith.constant 0 : i32
    %dma_wait3A_56 = arith.constant 0 : i32
    %dma_wait3A_57 = arith.constant 0 : i32
    %dma_wait3A_58 = tpu.memref_slice %arg9[%dma_wait3A_40, %dma_wait3A_55, %dma_wait3A_56, %dma_wait3A_57] : memref<2x5x16x128xf32, #tpu.memory_space<vmem>> -> memref<1x5x16x128xf32, #tpu.memory_space<vmem>>
    %dma_wait3A_59 = tpu.memref_squeeze %dma_wait3A_58 : memref<1x5x16x128xf32, #tpu.memory_space<vmem>> -> memref<5x16x128xf32, #tpu.memory_space<vmem>>
    tpu.wait_dma2 semaphore(%dma_wait3A_51 : memref<!tpu.dma_semaphore, #tpu.memory_space<semaphore_mem>>) src(%dma_wait3A_59 : memref<5x16x128xf32, #tpu.memory_space<vmem>>) dst(%dma_wait3A_54 : memref<5x16x128xf32, #tpu.memory_space<hbm>>)
    %dma_wait3A_60 = arith.constant 1 : i32
    %dma_wait3A_61 = arith.constant 1 : i32
    %dma_wait3A_62 = arith.constant 0 : i32
    %dma_wait3A_63 = arith.constant 0 : i32
    %dma_wait3A_64 = arith.constant 0 : i32
    %dma_wait3A_65 = tpu.memref_slice %arg9[%dma_wait3A_60, %dma_wait3A_62, %dma_wait3A_63, %dma_wait3A_64] : memref<2x5x16x128xf32, #tpu.memory_space<vmem>> -> memref<1x5x16x128xf32, #tpu.memory_space<vmem>>
    %dma_wait3A_66 = tpu.memref_squeeze %dma_wait3A_65 : memref<1x5x16x128xf32, #tpu.memory_space<vmem>> -> memref<5x16x128xf32, #tpu.memory_space<vmem>>
    %dma_wait3A_67 = arith.constant 0 : i32
    %dma_wait3A_68 = arith.constant 0 : i32
    %dma_wait3A_69 = tpu.memref_slice %arg5[%dma_wait3A_67, %mul3A_15, %dma_wait3A_68] : memref<200x512x128xf32, #tpu.memory_space<hbm>> -> memref<5x16x128xf32, #tpu.memory_space<hbm>>
    %dma_wait3A_70 = tpu.memref_slice %arg12[%dma_wait3A_61] : memref<2x!tpu.dma_semaphore, #tpu.memory_space<semaphore_mem>> -> memref<1x!tpu.dma_semaphore, #tpu.memory_space<semaphore_mem>>
    %dma_wait3A_71 = tpu.memref_squeeze %dma_wait3A_70 : memref<1x!tpu.dma_semaphore, #tpu.memory_space<semaphore_mem>> -> memref<!tpu.dma_semaphore, #tpu.memory_space<semaphore_mem>>
    %dma_wait3A_72 = arith.constant 0 : i32
    %dma_wait3A_73 = arith.constant 0 : i32
    %dma_wait3A_74 = tpu.memref_slice %arg5[%dma_wait3A_72, %mul3A_15, %dma_wait3A_73] : memref<200x512x128xf32, #tpu.memory_space<hbm>> -> memref<5x16x128xf32, #tpu.memory_space<hbm>>
    %dma_wait3A_75 = arith.constant 0 : i32
    %dma_wait3A_76 = arith.constant 0 : i32
    %dma_wait3A_77 = arith.constant 0 : i32
    %dma_wait3A_78 = tpu.memref_slice %arg9[%dma_wait3A_60, %dma_wait3A_75, %dma_wait3A_76, %dma_wait3A_77] : memref<2x5x16x128xf32, #tpu.memory_space<vmem>> -> memref<1x5x16x128xf32, #tpu.memory_space<vmem>>
    %dma_wait3A_79 = tpu.memref_squeeze %dma_wait3A_78 : memref<1x5x16x128xf32, #tpu.memory_space<vmem>> -> memref<5x16x128xf32, #tpu.memory_space<vmem>>
    tpu.wait_dma2 semaphore(%dma_wait3A_71 : memref<!tpu.dma_semaphore, #tpu.memory_space<semaphore_mem>>) src(%dma_wait3A_79 : memref<5x16x128xf32, #tpu.memory_space<vmem>>) dst(%dma_wait3A_74 : memref<5x16x128xf32, #tpu.memory_space<hbm>>)
    %dma_wait3A_80 = arith.constant 1 : i32
    %dma_wait3A_81 = arith.constant 1 : i32
    %dma_wait3A_82 = arith.constant 0 : i32
    %dma_wait3A_83 = arith.constant 0 : i32
    %dma_wait3A_84 = arith.constant 0 : i32
    %dma_wait3A_85 = tpu.memref_slice %arg9[%dma_wait3A_80, %dma_wait3A_82, %dma_wait3A_83, %dma_wait3A_84] : memref<2x5x16x128xf32, #tpu.memory_space<vmem>> -> memref<1x5x16x128xf32, #tpu.memory_space<vmem>>
    %dma_wait3A_86 = tpu.memref_squeeze %dma_wait3A_85 : memref<1x5x16x128xf32, #tpu.memory_space<vmem>> -> memref<5x16x128xf32, #tpu.memory_space<vmem>>
    %dma_wait3A_87 = arith.constant 0 : i32
    %dma_wait3A_88 = arith.constant 0 : i32
    %dma_wait3A_89 = tpu.memref_slice %arg6[%dma_wait3A_87, %mul3A_15, %dma_wait3A_88] : memref<200x512x128xf32, #tpu.memory_space<hbm>> -> memref<5x16x128xf32, #tpu.memory_space<hbm>>
    %dma_wait3A_90 = tpu.memref_slice %arg13[%dma_wait3A_81] : memref<2x!tpu.dma_semaphore, #tpu.memory_space<semaphore_mem>> -> memref<1x!tpu.dma_semaphore, #tpu.memory_space<semaphore_mem>>
    %dma_wait3A_91 = tpu.memref_squeeze %dma_wait3A_90 : memref<1x!tpu.dma_semaphore, #tpu.memory_space<semaphore_mem>> -> memref<!tpu.dma_semaphore, #tpu.memory_space<semaphore_mem>>
    %dma_wait3A_92 = arith.constant 0 : i32
    %dma_wait3A_93 = arith.constant 0 : i32
    %dma_wait3A_94 = tpu.memref_slice %arg6[%dma_wait3A_92, %mul3A_15, %dma_wait3A_93] : memref<200x512x128xf32, #tpu.memory_space<hbm>> -> memref<5x16x128xf32, #tpu.memory_space<hbm>>
    %dma_wait3A_95 = arith.constant 0 : i32
    %dma_wait3A_96 = arith.constant 0 : i32
    %dma_wait3A_97 = arith.constant 0 : i32
    %dma_wait3A_98 = tpu.memref_slice %arg9[%dma_wait3A_80, %dma_wait3A_95, %dma_wait3A_96, %dma_wait3A_97] : memref<2x5x16x128xf32, #tpu.memory_space<vmem>> -> memref<1x5x16x128xf32, #tpu.memory_space<vmem>>
    %dma_wait3A_99 = tpu.memref_squeeze %dma_wait3A_98 : memref<1x5x16x128xf32, #tpu.memory_space<vmem>> -> memref<5x16x128xf32, #tpu.memory_space<vmem>>
    tpu.wait_dma2 semaphore(%dma_wait3A_91 : memref<!tpu.dma_semaphore, #tpu.memory_space<semaphore_mem>>) src(%dma_wait3A_99 : memref<5x16x128xf32, #tpu.memory_space<vmem>>) dst(%dma_wait3A_94 : memref<5x16x128xf32, #tpu.memory_space<hbm>>)
    return
  }
}

module attributes {stable_mosaic.version = 14 : i64} {
  func.func @_tc_embed_body(%arg0: i32, %arg1: memref<16xf32, #tpu.memory_space<smem>>, %arg2: memref<4x2048x128xf32, #tpu.memory_space<vmem>>, %arg3: memref<4x2048x128xf32, #tpu.memory_space<vmem>>, %arg4: memref<2048x128xf32, #tpu.memory_space<vmem>>) attributes {dimension_semantics = [#tpu.dimension_semantics<arbitrary>], iteration_bounds = array<i64: 25>, scalar_prefetch = 0 : i64, scratch_operands = 1 : i64, tpu.core_type = #tpu.core_type<tc>, window_params = [{transform_indices = @transform_0, window_bounds = array<i64: 16>}, {transform_indices = @transform_1, window_bounds = array<i64: 4, 2048, 128>}, {transform_indices = @transform_2, window_bounds = array<i64: 4, 2048, 128>}]} {
    %eq3A = arith.constant 0 : i32
    %eq3A_0 = arith.cmpi eq, %arg0, %eq3A : i32
    %convert_element_type3A = arith.extui %eq3A_0 : i1 to i32
    %cond3A = arith.constant 0 : i32
    %cond3A_1 = arith.cmpi ne, %convert_element_type3A, %cond3A : i32
    scf.if %cond3A_1 {
      %iota3A = tpu.iota {dimensions = array<i32: 0>} : vector<2048x128xi32>
      %jit3A = arith.constant 1024 : i32
      %div3A = vector.broadcast %jit3A : i32 to vector<2048x128xi32>
      %div3A_51 = arith.divsi %iota3A, %div3A : vector<2048x128xi32>
      %sign3A = arith.constant 0 : i32
      %sign3A_52 = vector.broadcast %sign3A : i32 to vector<2048x128xi32>
      %sign3A_53 = arith.cmpi sgt, %iota3A, %sign3A_52 : vector<2048x128xi32>
      %sign3A_54 = arith.extui %sign3A_53 : vector<2048x128xi1> to vector<2048x128xi32>
      %sign3A_55 = arith.constant 0 : i32
      %sign3A_56 = vector.broadcast %sign3A_55 : i32 to vector<2048x128xi32>
      %sign3A_57 = arith.cmpi slt, %iota3A, %sign3A_56 : vector<2048x128xi32>
      %sign3A_58 = arith.extui %sign3A_57 : vector<2048x128xi1> to vector<2048x128xi32>
      %sign3A_59 = arith.subi %sign3A_54, %sign3A_58 : vector<2048x128xi32>
      %sign3A_60 = arith.constant 0 : i32
      %sign3A_61 = arith.cmpi sgt, %jit3A, %sign3A_60 : i32
      %sign3A_62 = arith.extui %sign3A_61 : i1 to i32
      %sign3A_63 = arith.constant 0 : i32
      %sign3A_64 = arith.cmpi slt, %jit3A, %sign3A_63 : i32
      %sign3A_65 = arith.extui %sign3A_64 : i1 to i32
      %sign3A_66 = arith.subi %sign3A_62, %sign3A_65 : i32
      %ne3A = vector.broadcast %sign3A_66 : i32 to vector<2048x128xi32>
      %ne3A_67 = arith.cmpi ne, %sign3A_59, %ne3A : vector<2048x128xi32>
      %rem3A = vector.broadcast %jit3A : i32 to vector<2048x128xi32>
      %rem3A_68 = arith.remsi %iota3A, %rem3A : vector<2048x128xi32>
      %ne3A_69 = arith.constant 0 : i32
      %ne3A_70 = vector.broadcast %ne3A_69 : i32 to vector<2048x128xi32>
      %ne3A_71 = arith.cmpi ne, %rem3A_68, %ne3A_70 : vector<2048x128xi32>
      %and3A = arith.andi %ne3A_67, %ne3A_71 : vector<2048x128xi1>
      %sub3A = arith.constant 1 : i32
      %sub3A_72 = vector.broadcast %sub3A : i32 to vector<2048x128xi32>
      %sub3A_73 = arith.subi %div3A_51, %sub3A_72 : vector<2048x128xi32>
      %select_n3A = arith.select %and3A, %sub3A_73, %div3A_51 : vector<2048x128xi1>, vector<2048x128xi32>
      %mul3A = arith.constant 8 : i32
      %mul3A_74 = vector.broadcast %mul3A : i32 to vector<2048x128xi32>
      %mul3A_75 = arith.muli %select_n3A, %mul3A_74 : vector<2048x128xi32>
      %jit3A_76 = arith.constant 8 : i32
      %eq3A_77 = arith.constant 0 : i32
      %eq3A_78 = arith.cmpi eq, %jit3A_76, %eq3A_77 : i32
      %jit3A_79 = arith.constant 1 : i32
      %select_n3A_80 = arith.select %eq3A_78, %jit3A_79, %jit3A_76 : i32
      %rem3A_81 = vector.broadcast %select_n3A_80 : i32 to vector<2048x128xi32>
      %rem3A_82 = arith.remsi %iota3A, %rem3A_81 : vector<2048x128xi32>
      %ne3A_83 = arith.constant 0 : i32
      %ne3A_84 = vector.broadcast %ne3A_83 : i32 to vector<2048x128xi32>
      %ne3A_85 = arith.cmpi ne, %rem3A_82, %ne3A_84 : vector<2048x128xi32>
      %lt3A = arith.constant 0 : i32
      %lt3A_86 = vector.broadcast %lt3A : i32 to vector<2048x128xi32>
      %lt3A_87 = arith.cmpi slt, %rem3A_82, %lt3A_86 : vector<2048x128xi32>
      %lt3A_88 = arith.constant 0 : i32
      %lt3A_89 = arith.cmpi slt, %select_n3A_80, %lt3A_88 : i32
      %ne3A_90 = vector.broadcast %lt3A_89 : i1 to vector<2048x128xi1>
      %ne3A_91 = vector.broadcast %ne3A_90 : vector<2048x128xi1> to vector<2048x128xi1>
      %ne3A_92 = arith.xori %lt3A_87, %ne3A_91 : vector<2048x128xi1>
      %and3A_93 = arith.andi %ne3A_92, %ne3A_85 : vector<2048x128xi1>
      %add3A = vector.broadcast %select_n3A_80 : i32 to vector<2048x128xi32>
      %add3A_94 = arith.addi %rem3A_82, %add3A : vector<2048x128xi32>
      %select_n3A_95 = arith.select %and3A_93, %add3A_94, %rem3A_82 : vector<2048x128xi1>, vector<2048x128xi32>
      %add3A_96 = arith.addi %mul3A_75, %select_n3A_95 : vector<2048x128xi32>
      %broadcast_in_dim3A = arith.constant 0.000000e+00 : f32
      %broadcast_in_dim3A_97 = vector.broadcast %broadcast_in_dim3A : f32 to vector<2048x128xf32>
      %eq3A_98 = arith.constant 0 : i32
      %eq3A_99 = vector.broadcast %eq3A_98 : i32 to vector<2048x128xi32>
      %eq3A_100 = arith.cmpi eq, %add3A_96, %eq3A_99 : vector<2048x128xi32>
      %get3A_101 = arith.constant 0 : index
      %get3A_102 = memref.load %arg1[%get3A_101] : memref<16xf32, #tpu.memory_space<smem>>
      %broadcast_in_dim3A_103 = vector.broadcast %get3A_102 : f32 to vector<2048x128xf32>
      %select_n3A_104 = arith.select %eq3A_100, %broadcast_in_dim3A_103, %broadcast_in_dim3A_97 : vector<2048x128xi1>, vector<2048x128xf32>
      %eq3A_105 = arith.constant 1 : i32
      %eq3A_106 = vector.broadcast %eq3A_105 : i32 to vector<2048x128xi32>
      %eq3A_107 = arith.cmpi eq, %add3A_96, %eq3A_106 : vector<2048x128xi32>
      %get3A_108 = arith.constant 1 : index
      %get3A_109 = memref.load %arg1[%get3A_108] : memref<16xf32, #tpu.memory_space<smem>>
      %broadcast_in_dim3A_110 = vector.broadcast %get3A_109 : f32 to vector<2048x128xf32>
      %select_n3A_111 = arith.select %eq3A_107, %broadcast_in_dim3A_110, %select_n3A_104 : vector<2048x128xi1>, vector<2048x128xf32>
      %eq3A_112 = arith.constant 2 : i32
      %eq3A_113 = vector.broadcast %eq3A_112 : i32 to vector<2048x128xi32>
      %eq3A_114 = arith.cmpi eq, %add3A_96, %eq3A_113 : vector<2048x128xi32>
      %get3A_115 = arith.constant 2 : index
      %get3A_116 = memref.load %arg1[%get3A_115] : memref<16xf32, #tpu.memory_space<smem>>
      %broadcast_in_dim3A_117 = vector.broadcast %get3A_116 : f32 to vector<2048x128xf32>
      %select_n3A_118 = arith.select %eq3A_114, %broadcast_in_dim3A_117, %select_n3A_111 : vector<2048x128xi1>, vector<2048x128xf32>
      %eq3A_119 = arith.constant 3 : i32
      %eq3A_120 = vector.broadcast %eq3A_119 : i32 to vector<2048x128xi32>
      %eq3A_121 = arith.cmpi eq, %add3A_96, %eq3A_120 : vector<2048x128xi32>
      %get3A_122 = arith.constant 3 : index
      %get3A_123 = memref.load %arg1[%get3A_122] : memref<16xf32, #tpu.memory_space<smem>>
      %broadcast_in_dim3A_124 = vector.broadcast %get3A_123 : f32 to vector<2048x128xf32>
      %select_n3A_125 = arith.select %eq3A_121, %broadcast_in_dim3A_124, %select_n3A_118 : vector<2048x128xi1>, vector<2048x128xf32>
      %eq3A_126 = arith.constant 4 : i32
      %eq3A_127 = vector.broadcast %eq3A_126 : i32 to vector<2048x128xi32>
      %eq3A_128 = arith.cmpi eq, %add3A_96, %eq3A_127 : vector<2048x128xi32>
      %get3A_129 = arith.constant 4 : index
      %get3A_130 = memref.load %arg1[%get3A_129] : memref<16xf32, #tpu.memory_space<smem>>
      %broadcast_in_dim3A_131 = vector.broadcast %get3A_130 : f32 to vector<2048x128xf32>
      %select_n3A_132 = arith.select %eq3A_128, %broadcast_in_dim3A_131, %select_n3A_125 : vector<2048x128xi1>, vector<2048x128xf32>
      %eq3A_133 = arith.constant 5 : i32
      %eq3A_134 = vector.broadcast %eq3A_133 : i32 to vector<2048x128xi32>
      %eq3A_135 = arith.cmpi eq, %add3A_96, %eq3A_134 : vector<2048x128xi32>
      %get3A_136 = arith.constant 5 : index
      %get3A_137 = memref.load %arg1[%get3A_136] : memref<16xf32, #tpu.memory_space<smem>>
      %broadcast_in_dim3A_138 = vector.broadcast %get3A_137 : f32 to vector<2048x128xf32>
      %select_n3A_139 = arith.select %eq3A_135, %broadcast_in_dim3A_138, %select_n3A_132 : vector<2048x128xi1>, vector<2048x128xf32>
      %eq3A_140 = arith.constant 6 : i32
      %eq3A_141 = vector.broadcast %eq3A_140 : i32 to vector<2048x128xi32>
      %eq3A_142 = arith.cmpi eq, %add3A_96, %eq3A_141 : vector<2048x128xi32>
      %get3A_143 = arith.constant 6 : index
      %get3A_144 = memref.load %arg1[%get3A_143] : memref<16xf32, #tpu.memory_space<smem>>
      %broadcast_in_dim3A_145 = vector.broadcast %get3A_144 : f32 to vector<2048x128xf32>
      %select_n3A_146 = arith.select %eq3A_142, %broadcast_in_dim3A_145, %select_n3A_139 : vector<2048x128xi1>, vector<2048x128xf32>
      %eq3A_147 = arith.constant 7 : i32
      %eq3A_148 = vector.broadcast %eq3A_147 : i32 to vector<2048x128xi32>
      %eq3A_149 = arith.cmpi eq, %add3A_96, %eq3A_148 : vector<2048x128xi32>
      %get3A_150 = arith.constant 7 : index
      %get3A_151 = memref.load %arg1[%get3A_150] : memref<16xf32, #tpu.memory_space<smem>>
      %broadcast_in_dim3A_152 = vector.broadcast %get3A_151 : f32 to vector<2048x128xf32>
      %select_n3A_153 = arith.select %eq3A_149, %broadcast_in_dim3A_152, %select_n3A_146 : vector<2048x128xi1>, vector<2048x128xf32>
      %eq3A_154 = arith.constant 8 : i32
      %eq3A_155 = vector.broadcast %eq3A_154 : i32 to vector<2048x128xi32>
      %eq3A_156 = arith.cmpi eq, %add3A_96, %eq3A_155 : vector<2048x128xi32>
      %get3A_157 = arith.constant 8 : index
      %get3A_158 = memref.load %arg1[%get3A_157] : memref<16xf32, #tpu.memory_space<smem>>
      %broadcast_in_dim3A_159 = vector.broadcast %get3A_158 : f32 to vector<2048x128xf32>
      %select_n3A_160 = arith.select %eq3A_156, %broadcast_in_dim3A_159, %select_n3A_153 : vector<2048x128xi1>, vector<2048x128xf32>
      %eq3A_161 = arith.constant 9 : i32
      %eq3A_162 = vector.broadcast %eq3A_161 : i32 to vector<2048x128xi32>
      %eq3A_163 = arith.cmpi eq, %add3A_96, %eq3A_162 : vector<2048x128xi32>
      %get3A_164 = arith.constant 9 : index
      %get3A_165 = memref.load %arg1[%get3A_164] : memref<16xf32, #tpu.memory_space<smem>>
      %broadcast_in_dim3A_166 = vector.broadcast %get3A_165 : f32 to vector<2048x128xf32>
      %select_n3A_167 = arith.select %eq3A_163, %broadcast_in_dim3A_166, %select_n3A_160 : vector<2048x128xi1>, vector<2048x128xf32>
      %eq3A_168 = arith.constant 10 : i32
      %eq3A_169 = vector.broadcast %eq3A_168 : i32 to vector<2048x128xi32>
      %eq3A_170 = arith.cmpi eq, %add3A_96, %eq3A_169 : vector<2048x128xi32>
      %get3A_171 = arith.constant 10 : index
      %get3A_172 = memref.load %arg1[%get3A_171] : memref<16xf32, #tpu.memory_space<smem>>
      %broadcast_in_dim3A_173 = vector.broadcast %get3A_172 : f32 to vector<2048x128xf32>
      %select_n3A_174 = arith.select %eq3A_170, %broadcast_in_dim3A_173, %select_n3A_167 : vector<2048x128xi1>, vector<2048x128xf32>
      %eq3A_175 = arith.constant 11 : i32
      %eq3A_176 = vector.broadcast %eq3A_175 : i32 to vector<2048x128xi32>
      %eq3A_177 = arith.cmpi eq, %add3A_96, %eq3A_176 : vector<2048x128xi32>
      %get3A_178 = arith.constant 11 : index
      %get3A_179 = memref.load %arg1[%get3A_178] : memref<16xf32, #tpu.memory_space<smem>>
      %broadcast_in_dim3A_180 = vector.broadcast %get3A_179 : f32 to vector<2048x128xf32>
      %select_n3A_181 = arith.select %eq3A_177, %broadcast_in_dim3A_180, %select_n3A_174 : vector<2048x128xi1>, vector<2048x128xf32>
      %eq3A_182 = arith.constant 12 : i32
      %eq3A_183 = vector.broadcast %eq3A_182 : i32 to vector<2048x128xi32>
      %eq3A_184 = arith.cmpi eq, %add3A_96, %eq3A_183 : vector<2048x128xi32>
      %get3A_185 = arith.constant 12 : index
      %get3A_186 = memref.load %arg1[%get3A_185] : memref<16xf32, #tpu.memory_space<smem>>
      %broadcast_in_dim3A_187 = vector.broadcast %get3A_186 : f32 to vector<2048x128xf32>
      %select_n3A_188 = arith.select %eq3A_184, %broadcast_in_dim3A_187, %select_n3A_181 : vector<2048x128xi1>, vector<2048x128xf32>
      %eq3A_189 = arith.constant 13 : i32
      %eq3A_190 = vector.broadcast %eq3A_189 : i32 to vector<2048x128xi32>
      %eq3A_191 = arith.cmpi eq, %add3A_96, %eq3A_190 : vector<2048x128xi32>
      %get3A_192 = arith.constant 13 : index
      %get3A_193 = memref.load %arg1[%get3A_192] : memref<16xf32, #tpu.memory_space<smem>>
      %broadcast_in_dim3A_194 = vector.broadcast %get3A_193 : f32 to vector<2048x128xf32>
      %select_n3A_195 = arith.select %eq3A_191, %broadcast_in_dim3A_194, %select_n3A_188 : vector<2048x128xi1>, vector<2048x128xf32>
      %eq3A_196 = arith.constant 14 : i32
      %eq3A_197 = vector.broadcast %eq3A_196 : i32 to vector<2048x128xi32>
      %eq3A_198 = arith.cmpi eq, %add3A_96, %eq3A_197 : vector<2048x128xi32>
      %get3A_199 = arith.constant 14 : index
      %get3A_200 = memref.load %arg1[%get3A_199] : memref<16xf32, #tpu.memory_space<smem>>
      %broadcast_in_dim3A_201 = vector.broadcast %get3A_200 : f32 to vector<2048x128xf32>
      %select_n3A_202 = arith.select %eq3A_198, %broadcast_in_dim3A_201, %select_n3A_195 : vector<2048x128xi1>, vector<2048x128xf32>
      %eq3A_203 = arith.constant 15 : i32
      %eq3A_204 = vector.broadcast %eq3A_203 : i32 to vector<2048x128xi32>
      %eq3A_205 = arith.cmpi eq, %add3A_96, %eq3A_204 : vector<2048x128xi32>
      %get3A_206 = arith.constant 15 : index
      %get3A_207 = memref.load %arg1[%get3A_206] : memref<16xf32, #tpu.memory_space<smem>>
      %broadcast_in_dim3A_208 = vector.broadcast %get3A_207 : f32 to vector<2048x128xf32>
      %select_n3A_209 = arith.select %eq3A_205, %broadcast_in_dim3A_208, %select_n3A_202 : vector<2048x128xi1>, vector<2048x128xf32>
      %swap3A_210 = arith.constant 0 : index
      %swap3A_211 = arith.constant 0 : index
      %swap3A_212 = vector.load %arg4[%swap3A_210, %swap3A_211] : memref<2048x128xf32, #tpu.memory_space<vmem>>, vector<2048x128xf32>
      tpu.vector_store %arg4[%swap3A_210, %swap3A_211], %select_n3A_209 {strides = array<i32>} : memref<2048x128xf32, #tpu.memory_space<vmem>>, vector<2048x128xf32>,
    } else {
    }
    %get3A = arith.constant 0 : index
    %get3A_2 = arith.constant 0 : index
    %get3A_3 = vector.load %arg4[%get3A, %get3A_2] : memref<2048x128xf32, #tpu.memory_space<vmem>>, vector<2048x128xf32>
    %swap3A = arith.constant 0 : index
    %swap3A_4 = arith.constant 0 : index
    %swap3A_5 = arith.constant 0 : index
    %swap3A_6 = vector.load %arg2[%swap3A, %swap3A_4, %swap3A_5] : memref<4x2048x128xf32, #tpu.memory_space<vmem>>, vector<1x2048x128xf32>
    %swap3A_7 = vector.shape_cast %swap3A_6 : vector<1x2048x128xf32> to vector<2048x128xf32>
    %swap3A_8 = vector.shape_cast %get3A_3 : vector<2048x128xf32> to vector<1x2048x128xf32>
    tpu.vector_store %arg2[%swap3A, %swap3A_4, %swap3A_5], %swap3A_8 {strides = array<i32>} : memref<4x2048x128xf32, #tpu.memory_space<vmem>>, vector<1x2048x128xf32>,
    %swap3A_9 = arith.constant 0 : index
    %swap3A_10 = arith.constant 0 : index
    %swap3A_11 = arith.constant 0 : index
    %swap3A_12 = vector.load %arg3[%swap3A_9, %swap3A_10, %swap3A_11] : memref<4x2048x128xf32, #tpu.memory_space<vmem>>, vector<1x2048x128xf32>
    %swap3A_13 = vector.shape_cast %swap3A_12 : vector<1x2048x128xf32> to vector<2048x128xf32>
    %swap3A_14 = vector.shape_cast %get3A_3 : vector<2048x128xf32> to vector<1x2048x128xf32>
    tpu.vector_store %arg3[%swap3A_9, %swap3A_10, %swap3A_11], %swap3A_14 {strides = array<i32>} : memref<4x2048x128xf32, #tpu.memory_space<vmem>>, vector<1x2048x128xf32>,
    %swap3A_15 = arith.constant 1 : index
    %swap3A_16 = arith.constant 0 : index
    %swap3A_17 = arith.constant 0 : index
    %swap3A_18 = vector.load %arg2[%swap3A_15, %swap3A_16, %swap3A_17] : memref<4x2048x128xf32, #tpu.memory_space<vmem>>, vector<1x2048x128xf32>
    %swap3A_19 = vector.shape_cast %swap3A_18 : vector<1x2048x128xf32> to vector<2048x128xf32>
    %swap3A_20 = vector.shape_cast %get3A_3 : vector<2048x128xf32> to vector<1x2048x128xf32>
    tpu.vector_store %arg2[%swap3A_15, %swap3A_16, %swap3A_17], %swap3A_20 {strides = array<i32>} : memref<4x2048x128xf32, #tpu.memory_space<vmem>>, vector<1x2048x128xf32>,
    %swap3A_21 = arith.constant 1 : index
    %swap3A_22 = arith.constant 0 : index
    %swap3A_23 = arith.constant 0 : index
    %swap3A_24 = vector.load %arg3[%swap3A_21, %swap3A_22, %swap3A_23] : memref<4x2048x128xf32, #tpu.memory_space<vmem>>, vector<1x2048x128xf32>
    %swap3A_25 = vector.shape_cast %swap3A_24 : vector<1x2048x128xf32> to vector<2048x128xf32>
    %swap3A_26 = vector.shape_cast %get3A_3 : vector<2048x128xf32> to vector<1x2048x128xf32>
    tpu.vector_store %arg3[%swap3A_21, %swap3A_22, %swap3A_23], %swap3A_26 {strides = array<i32>} : memref<4x2048x128xf32, #tpu.memory_space<vmem>>, vector<1x2048x128xf32>,
    %swap3A_27 = arith.constant 2 : index
    %swap3A_28 = arith.constant 0 : index
    %swap3A_29 = arith.constant 0 : index
    %swap3A_30 = vector.load %arg2[%swap3A_27, %swap3A_28, %swap3A_29] : memref<4x2048x128xf32, #tpu.memory_space<vmem>>, vector<1x2048x128xf32>
    %swap3A_31 = vector.shape_cast %swap3A_30 : vector<1x2048x128xf32> to vector<2048x128xf32>
    %swap3A_32 = vector.shape_cast %get3A_3 : vector<2048x128xf32> to vector<1x2048x128xf32>
    tpu.vector_store %arg2[%swap3A_27, %swap3A_28, %swap3A_29], %swap3A_32 {strides = array<i32>} : memref<4x2048x128xf32, #tpu.memory_space<vmem>>, vector<1x2048x128xf32>,
    %swap3A_33 = arith.constant 2 : index
    %swap3A_34 = arith.constant 0 : index
    %swap3A_35 = arith.constant 0 : index
    %swap3A_36 = vector.load %arg3[%swap3A_33, %swap3A_34, %swap3A_35] : memref<4x2048x128xf32, #tpu.memory_space<vmem>>, vector<1x2048x128xf32>
    %swap3A_37 = vector.shape_cast %swap3A_36 : vector<1x2048x128xf32> to vector<2048x128xf32>
    %swap3A_38 = vector.shape_cast %get3A_3 : vector<2048x128xf32> to vector<1x2048x128xf32>
    tpu.vector_store %arg3[%swap3A_33, %swap3A_34, %swap3A_35], %swap3A_38 {strides = array<i32>} : memref<4x2048x128xf32, #tpu.memory_space<vmem>>, vector<1x2048x128xf32>,
    %swap3A_39 = arith.constant 3 : index
    %swap3A_40 = arith.constant 0 : index
    %swap3A_41 = arith.constant 0 : index
    %swap3A_42 = vector.load %arg2[%swap3A_39, %swap3A_40, %swap3A_41] : memref<4x2048x128xf32, #tpu.memory_space<vmem>>, vector<1x2048x128xf32>
    %swap3A_43 = vector.shape_cast %swap3A_42 : vector<1x2048x128xf32> to vector<2048x128xf32>
    %swap3A_44 = vector.shape_cast %get3A_3 : vector<2048x128xf32> to vector<1x2048x128xf32>
    tpu.vector_store %arg2[%swap3A_39, %swap3A_40, %swap3A_41], %swap3A_44 {strides = array<i32>} : memref<4x2048x128xf32, #tpu.memory_space<vmem>>, vector<1x2048x128xf32>,
    %swap3A_45 = arith.constant 3 : index
    %swap3A_46 = arith.constant 0 : index
    %swap3A_47 = arith.constant 0 : index
    %swap3A_48 = vector.load %arg3[%swap3A_45, %swap3A_46, %swap3A_47] : memref<4x2048x128xf32, #tpu.memory_space<vmem>>, vector<1x2048x128xf32>
    %swap3A_49 = vector.shape_cast %swap3A_48 : vector<1x2048x128xf32> to vector<2048x128xf32>
    %swap3A_50 = vector.shape_cast %get3A_3 : vector<2048x128xf32> to vector<1x2048x128xf32>
    tpu.vector_store %arg3[%swap3A_45, %swap3A_46, %swap3A_47], %swap3A_50 {strides = array<i32>} : memref<4x2048x128xf32, #tpu.memory_space<vmem>>, vector<1x2048x128xf32>,
    return
  }
  func.func @transform_0(%arg0: i32) -> i32 {
    %c0_i32 = arith.constant 0 : i32
    %c0_i32_0 = arith.constant 0 : i32
    return %c0_i32 : i32
  }
  func.func @transform_1(%arg0: i32) -> (i32, i32, i32) {
    %c0_i32 = arith.constant 0 : i32
    %c0_i32_0 = arith.constant 0 : i32
    %c0_i32_1 = arith.constant 0 : i32
    return %arg0, %c0_i32, %c0_i32_0 : i32, i32, i32
  }
  func.func @transform_2(%arg0: i32) -> (i32, i32, i32) {
    %c0_i32 = arith.constant 0 : i32
    %c0_i32_0 = arith.constant 0 : i32
    %c0_i32_1 = arith.constant 0 : i32
    return %arg0, %c0_i32, %c0_i32_0 : i32, i32, i32
  }
}

</mosaic_0001>

<sc_bundles>
// kernel: kernel.4.cloned.1.call-start
scs
__scs_entry_jumppad:
0x0: {  	(pc) =	sbr.rel $0x88, $3  }
0x1: {  	(tag) =	ssettag $0x0;
	lr =	simm.s32 $0x1  }
0x2: {  	[smem:$0x3F9E] =	sst lr;
	_ =	strace $0xD0000000  }
0x3: {  	_ = 	snop  }
0x4: {  	_ = 	snop  }
0x5: {  	_ = 	snop  }
0x6: {  	_ = 	snop  }
0x7: {  	_ = 	snop  }
__scs_overlays_trampoline_lowered:
0x8: {  	[smem:$0x3FAD] =	sst s0  }
0x9: {  	[smem:$0x3FAE] =	sst s1  }
0xa: {  	[smem:$0x3FAF] =	sst s2  }
0xb: {  	[smem:$0x3FB0] =	sst s3  }
0xc: {  	[smem:$0x3FB1] =	sst s4  }
0xd: {  	[smem:$0x3FB2] =	sst s5  }
0xe: {  	[smem:$0x3FB3] =	sst s6  }
0xf: {  	[smem:$0x3FB4] =	sst s7  }
0x10: {  	[smem:$0x3FB5] =	sst s8  }
0x11: {  	[smem:$0x3FB6] =	sst s9;
	s0 =	simm.s32 @!p0 $0x0  }
0x12: {  	s1 =	sld [smem:$0x3F9C];
	s0 =	simm.s32 @p0 $0x1  }
0x13: {  	[smem:$0x3FB7] =	sst s0;
	s0 =	simm.s32 @!p1 $0x0  }
0x14: {  	s2 =	sld [smem:$0x3F9B];
	s0 =	simm.s32 @p1 $0x1  }
0x15: {  	[smem:$0x3FB8] =	sst s0;
	s0 =	simm.s32 @!p2 $0x0  }
0x16: {  	s3 =	sld [smem:$0x3FDB];
	s0 =	simm.s32 @p2 $0x1  }
0x17: {  	s4 =	simm.s32 $0x1BF5;
	[smem:$0x3FBA] =	sst s0  }
0x18: {  	s0 =	sld [smem:$0x3F9D];
	_ =	swait.ge [sflag:s4], $0x0  }
0x19: {  	s7 =	sld [smem:$0x3F9E]  }
0x1a: {  	s8 =	sadd.s32 $0xFFFFE003, lr  }
0x1b: {  	s9 =	sadd.s32 $0xFFFFFEF7, lr;
	s5 =	simm.s32 $0xFFFFFFFF;
	p2 =	slt.u32 s8, $0xFFFFF086  }
0x1c: {  	p1 =	slt.u32 s9, $0xF7A;
	s5 =	simm.s32 @!p2 $0x0  }
0x1d: {  	s5 =	simm.s32 @p1 $0x1;
	p0 =	seq.s32 s7, s2  }
0x1e: {  	s7 =	smul.u32 @!p0 $0xF7A, s2;
	p2 =	seq.s32 @!p0 s5, $0x0  }
0x1f: {  	s9 =	smul.u32 $0xF7A, s1;
	s8 =	simm.s32 @!p0 $0x1BF5;
	p2 =	por !p2, p0  }
0x20: {  	[sflag:s8] =	ssyncset.s32 @!p0 $0xFFFFF086;
	s6 =	sadd.s32 @!p0 s3, s7;
	s7 =	simm.s32 @!p0 $0x108  }
0x21: {  	s3 =	sadd.s32 s3, s9;
	s6 =	sadd.s32 @!p0 $0x88, s6;
	s7 =	simm.s32 @p2 $0x1082  }
0x22: {  	[simem:s7], [sflag:s8] =	dma.local @!p0 [hbm:s6], $0xF7A  }
0x23: {  	s9 =	sor.u32 $0xD0000000, s2;
	s6 =	simm.s32 $0x108;
	_ =	swait.ge @!p0 [sflag:s8], $0x0  }
0x24: {  	s3 =	sadd.s32 $0x88, s3;
	s6 =	simm.s32 @!p1 $0x1082;
	[sflag:s4] =	ssyncset.s32 $0xFFFFF086  }
0x25: {  	[simem:s6], [sflag:s4] =	dma.local [hbm:s3], $0xF7A  }
0x26: {  	[smem:$0x3F9E] =	sst s1;
	(tag) =	ssettag s2;
	_ =	strace s9  }
0x27: {  	s1 =	sld [smem:$0x3FAE]  }
0x28: {  	s2 =	sld [smem:$0x3FAF]  }
0x29: {  	s4 =	sld [smem:$0x3FB1]  }
0x2a: {  	p0 =	seq.s32 s5, $0x0;
	s5 =	sld [smem:$0x3FB2]  }
0x2b: {  	s6 =	sld [smem:$0x3FB3]  }
0x2c: {  	s7 =	sld [smem:$0x3FB4]  }
0x2d: {  	s3 =	simm.s32 $0x108;
	s8 =	sld [smem:$0x3FB5]  }
0x2e: {  	s3 =	simm.s32 @!p0 $0x1082;
	s9 =	sld [smem:$0x3FB6]  }
0x2f: {  	lr =	sadd.s32 s0, s3;
	s0 =	sld [smem:$0x3FAD]  }
0x30: {  	s3 =	sld [smem:$0x3FB0]  }
0x31: {  	[smem:$0x3FB9] =	sst s10  }
0x32: {  	s10 =	sld [smem:$0x3FB7];
	_ =	sdelay $0x3  }
0x33: {  	p0 =	seq.s32 s10, $0x1;
	s10 =	sld [smem:$0x3FB9];
	_ =	sdelay $0x3  }
0x34: {  	[smem:$0x3FB9] =	sst s10  }
0x35: {  	s10 =	sld [smem:$0x3FB8];
	_ =	sdelay $0x3  }
0x36: {  	p1 =	seq.s32 s10, $0x1;
	s10 =	sld [smem:$0x3FB9];
	_ =	sdelay $0x3  }
0x37: {  	[smem:$0x3FB9] =	sst s10  }
0x38: {  	s10 =	sld [smem:$0x3FBA]  }
0x39: {  	_ = 	snop;
	(pc) =	sbr.ind lr, $3  }
0x3a: {  	_ = 	snop  }
0x3b: {  	_ = 	snop  }
0x3c: {  	p2 =	seq.s32 s10, $0x1;
	s10 =	sld [smem:$0x3FB9]  }
0x3d: {  	_ =	shalt  }
0x3e: {  	_ =	shalt  }
0x3f: {  	_ =	shalt  }
0x40: {  	_ =	shalt  }
0x41: {  	_ =	shalt  }
0x42: {  	_ =	shalt  }
0x43: {  	_ =	shalt  }
0x44: {  	_ =	shalt  }
0x45: {  	_ =	shalt  }
0x46: {  	_ =	shalt  }
0x47: {  	_ =	shalt  }
0x48: {  	_ =	shalt  }
0x49: {  	_ =	shalt  }
0x4a: {  	_ =	shalt  }
0x4b: {  	_ =	shalt  }
0x4c: {  	_ =	shalt  }
0x4d: {  	_ =	shalt  }
0x4e: {  	_ =	shalt  }
0x4f: {  	_ =	shalt  }
0x50: {  	_ =	shalt  }
0x51: {  	_ =	shalt  }
0x52: {  	_ =	shalt  }
0x53: {  	_ =	shalt  }
0x54: {  	_ =	shalt  }
0x55: {  	_ =	shalt  }
0x56: {  	_ =	shalt  }
0x57: {  	_ =	shalt  }
0x58: {  	_ =	shalt  }
0x59: {  	_ =	shalt  }
0x5a: {  	_ =	shalt  }
0x5b: {  	_ =	shalt  }
0x5c: {  	_ =	shalt  }
0x5d: {  	_ =	shalt  }
0x5e: {  	_ =	shalt  }
0x5f: {  	_ =	shalt  }
0x60: {  	_ =	shalt  }
0x61: {  	_ =	shalt  }
0x62: {  	_ =	shalt  }
0x63: {  	_ =	shalt  }
0x64: {  	_ =	shalt  }
0x65: {  	_ =	shalt  }
0x66: {  	_ =	shalt  }
0x67: {  	_ =	shalt  }
0x68: {  	_ =	shalt  }
0x69: {  	_ =	shalt  }
0x6a: {  	_ =	shalt  }
0x6b: {  	_ =	shalt  }
0x6c: {  	_ =	shalt  }
0x6d: {  	_ =	shalt  }
0x6e: {  	_ =	shalt  }
0x6f: {  	_ =	shalt  }
0x70: {  	_ =	shalt  }
0x71: {  	_ =	shalt  }
0x72: {  	_ =	shalt  }
0x73: {  	_ =	shalt  }
0x74: {  	_ =	shalt  }
0x75: {  	_ =	shalt  }
0x76: {  	_ =	shalt  }
0x77: {  	_ =	shalt  }
0x78: {  	_ =	shalt  }
0x79: {  	_ =	shalt  }
0x7a: {  	_ =	shalt  }
0x7b: {  	_ =	shalt  }
0x7c: {  	_ =	shalt  }
0x7d: {  	_ =	shalt  }
0x7e: {  	_ =	shalt  }
0x7f: {  	_ =	shalt  }
0x80: {  	_ =	shalt  }
0x81: {  	_ =	shalt  }
0x82: {  	_ =	shalt  }
0x83: {  	_ =	shalt  }
0x84: {  	_ =	shalt  }
0x85: {  	_ =	shalt  }
0x86: {  	_ =	shalt  }
0x87: {  	_ =	shalt  }
.Lfunc_end0:
.L_simem_size_0:
called_computation_lowered:
.L_overlay_start_0:
0x88: {  	s2 =	sld [smem:$0x3FD9]  }
0x89: {  	s3 =	sld [smem:$0x3FFE];
	_ =	sdelay $0x1  }
0x8a: {  	s1 =	srdreg.scid  }
0x8b: {  	s0 =	sand.u32 $0x1, s1  }
0x8c: {  	s14 =	sshll.u32 s0, $0xA;
	s2 =	sadd.s32 s3, s2  }
0x8d: {  	s2 =	sadd.s32 s2, s14  }
0x8e: {  	[smem:$0x3FC5] =	sst s2  }
0x8f: {  	_ = 	snop  }
0x90: {  	s2 =	sld [smem:$0x3FD0];
	_ =	sdelay $0x2  }
0x91: {  	s4 =	simm.s32 $0xA;
	s5 =	simm.s32 $0x10;
	s15 =	sld [smem:$0x3FC8]  }
0x92: {  	[smem:s5], [sflag:s4] =	dma.local [hbm:s2], $0x1  }
0x93: {  	_ =	swait.eq [sflag:s4], $0x1  }
0x94: {  	s16 =	sld [smem:$0x10];
	[sflag:s4] =	ssyncset.done $0x0  }
0x95: {  	s17 =	sld [smem:$0x12];
	[sflag:s4] =	ssyncadd.s32 $0xFFFFFFFF  }
0x96: {  	s18 =	sld [smem:$0x13];
	(tm) =	ssettm $0x1  }
0x97: {  	s6 =	sld [smem:$0x3FFB];
	_ =	sdelay $0x3  }
0x98: {  	_ =	strace s6  }
0x99: {  	s6 =	sld [smem:$0x3FFC];
	_ =	sdelay $0x3  }
0x9a: {  	_ =	strace s6  }
0x9b: {  	s6 =	sld [smem:$0x3FFD];
	_ =	sdelay $0x3  }
0x9c: {  	_ =	strace s6  }
0x9d: {  	_ =	strace $0x8FFFFFFF  }
0x9e: {  	s19 =	sld [smem:$0x3FDB];
	_ =	sdelay $0x1  }
0x9f: {  	s7 =	simm.s32 $_scs_section_size  }
0xa0: {  	s8 =	simm.s32 $_size__tile_overlayer_lowered;
	s9 =	simm.s32 $_tile_overlayer_lowered  }
0xa1: {  	s22 =	simm.s32 $0x1BFF;
	s21 =	sshll.u32 s9, $0x1;
	s6 =	sadd.s32 s7, s19  }
0xa2: {  	s10 =	simm.s32 $0x0;
	s20 =	sshll.u32 s8, $0x1;
	s8 =	sadd.s32 s21, s6  }
0xa3: {  	[timem:s10], [sflag:s22] =	dma.local [hbm:s8], s20  }
0xa4: {  	_ =	swait.ge [sflag:s22], s20  }
0xa5: {  	s7 =	ssub.s32 $0x0, s20;
	[sflag:s22] =	ssyncset.done $0x0  }
0xa6: {  	[sflag:s22] =	ssyncadd.s32 s7;
	_ =	sdelay $0x1  }
0xa7: {  	s23 =	simm.s32 $0x1B8B  }
0xa8: {  	_ =	swait.ge [sflag:s23], $0x1  }
0xa9: {  	[sflag:s23] =	ssyncset.done $0x0  }
0xaa: {  	s25 =	simm.s32 $0x1B8E;
	s24 =	sld [smem:$0x3FFE];
	[sflag:s23] =	ssyncadd.s32 $0xFFFFFFFF  }
0xab: {  	s26 =	simm.s32 $execute0_lowered;
	[smem:$0x3FD2] =	sst s25  }
0xac: {  	s8 =	sshll.u32 s26, $0x1;
	_ =	strace $0x80000046;
	[dreg:$0x1] =	wrdreg $0xFFFFFFFF  }
0xad: {  	s28 =	simm.s32 $_size_execute0_lowered;
	s6 =	sadd.s32 s6, s8;
	[dreg:$0x0] =	wrdreg $0x0  }
0xae: {  	s8 =	sshll.u32 s28, $0x1;
	[dreg:$0x2] =	wrdreg s6  }
0xaf: {  	[dreg:$0x3] =	wrdreg s8  }
0xb0: {  	[dreg:$0x4] =	wrdreg $0xC0  }
0xb1: {  	_ =	task [dreg:s10], $0x5FFFF  }
0xb2: {  	[dreg:$0x1] =	wrdreg $0xFFFFFFFF  }
0xb3: {  	[dreg:$0x0] =	wrdreg $0x60  }
0xb4: {  	[dreg:$0x2] =	wrdreg s24  }
0xb5: {  	[dreg:$0x3] =	wrdreg s15  }
0xb6: {  	[dreg:$0x4] =	wrdreg s16  }
0xb7: {  	[dreg:$0x5] =	wrdreg s17  }
0xb8: {  	[dreg:$0x6] =	wrdreg s18  }
0xb9: {  	[dreg:$0x7] =	wrdreg $0x9  }
0xba: {  	_ =	task.clear_ibuf [dreg:s10], $0x8FFFF;
	_ =	strace $0x90000046  }
0xbb: {  	s29 =	simm.s32 $0x9;
	_ =	strace $0x80000048  }
0xbc: {  	_ =	swait.ge [sflag:s29], $0x1  }
0xbd: {  	[sflag:s29] =	ssyncadd.s32 $0xFFFFFFFF  }
0xbe: {  	_ =	strace $0x90000048  }
0xbf: {  	_ =	sfence  }
0xc0: {  	s30 =	sld [smem:$0x0];
	_ =	sdelay $0x2  }
0xc1: {  	s31 =	sshll.u32 s1, $0xD;
	s1 =	sshrl.u32 s1, $0x2  }
0xc2: {  	s3 =	sand.u32 $0x4000, s31;
	s1 =	sadd.s32 s1, s30  }
0xc3: {  	s0 =	sor.u32 s3, s0;
	s1 =	sshll.u32 s1, $0x11  }
0xc4: {  	s0 =	sor.u32 s1, s0  }
0xc5: {  	s0 =	sadd.s32 $0x8F2B, s0  }
0xc6: {  	[sflag:s0] =	ssyncadd.remote.s32 $0x1  }
0xc7: {  	_ =	sfence.sel $0xFFFF  }
0xc8: {  	[dreg:$0x0] =	wrdreg $0xFFFFFFFF;
	(pc) =	sbr.abs _section_cstart, $3  }
0xc9: {  	[dreg:$0x1] =	wrdreg $0xFFFFFFFF  }
0xca: {  	_ =	task.clear_ibuf [dreg:s10], $0x2FFFF;
	_ =	strace $0x9FFFFFFF  }
0xcb: {  	(tm) =	ssettm $0x7FFFFFFF  }
tec
execute0_lowered:
.L_overlay_start_1:
0x0: {  	(tag) =	ssettag $0x1  }
0x1: {  	s5 =	rddreg [dreg:$0x0]  }
0x2: {  	s6 =	rddreg [dreg:$0x1]  }
0x3: {  	s1 =	rddreg [dreg:$0x2]  }
0x4: {  	s3 =	rddreg [dreg:$0x3];
	s2 =	srdreg.scid  }
0x5: {  	s0 =	stileid.u32;
	s7 =	rddreg [dreg:$0x4];
	s4 =	simm.s32 $0x0  }
0x6: {  	s14 =	simm.s32 $0x1E000;
	s15 =	simm.s32 $0x800;
	s16 =	simm.s32 $0x10000  }
0x7: {  	s17 =	simm.s32 $0x1;
	s18 =	simm.s32 $0x3;
	s19 =	simm.s32 $0x2  }
0x8: {  	s20 =	simm.s32 $0x4;
	s21 =	simm.s32 $0x0;
	s8 =	sand.u32 $0x1, s2  }
0x9: {  	s9 =	sshll.u32 s0, $0x1;
	[smem:$0x7FF] =	sst s4;
	s31 =	sadd.s32 $0xC00, s5  }
0xa: {  	s9 =	sor.u32 s8, s9;
	_ =	strace $0x80000047;
	s8 =	ssub.s32 $0x2, s8  }
0xb: {  	[dreg:$0x6] =	wrdreg s31;
	s10 =	smul.u32 $0x3200, s9;
	s11 =	sshrl.u32 s8, $0x1  }
0xc: {  	s12 =	sshll.u32 s9, $0x6;
	s9 =	sshll.u32 s9, $0xB;
	s11 =	ssub.s32 s8, s11  }
0xd: {  	v0 =	vlaneseq.u32;
	s6 =	sadd.s32 s6, s12;
	s7 =	sadd.s32 s7, s12;
	s10 =	sadd.s32 s10, s5  }
0xe: {  	v0 =	vmul.u32 $0xC8, v0;
	s12 =	simm.s32 $0x5;
	s8 =	sadd.s32 $0xE00, s10;
	s10 =	smax.u32 s11, $0x1  }
.LBB2_1:
0xf: {  	s0 =	simm.s32 $0x1E080  }
0x10: {  	[tilespmem:s0], [sflag:$0x5] =	stream.linear.gather [hbm4b:s6+s4], $0x200, $0x38;
	[tilespmem:$0x1E280] =	vst v63  }
0x11: {  	_ =	swait.ge [sflag:s12], $0x200  }
0x12: {  	[sflag:s12] =	ssyncset.done $0x0  }
0x13: {  	[sflag:s12] =	ssyncadd.s32 $0xFFFFFE00  }
0x14: {  	[hbm4b:s7+s4] =	stream.linear.scatter [tilespmem:s0], [sflag:$0x5], $0x200, $0x38;
	[tilespmem:$0x1E280] =	vst v63  }
0x15: {  	_ =	swait.ge [sflag:s12], $0x200  }
0x16: {  	[sflag:s12] =	ssyncset.done $0x0  }
0x17: {  	s2 =	simm.s32 $0x1E010;
	s31 =	rddreg [dreg:$0x6];
	[sflag:s12] =	ssyncadd.s32 $0xFFFFFE00  }
0x18: {  	[tilespmem:s2], [sflag:$0x5] =	stream.linear.gather [hbm4b:s31+s4], $0x10, $0x38;
	[tilespmem:$0x1E280] =	vst v63  }
0x19: {  	_ =	swait.ge [sflag:s12], $0x10  }
0x1a: {  	[sflag:s12] =	ssyncset.done $0x0  }
0x1b: {  	[sflag:s12] =	ssyncadd.s32 $0xFFFFFFF0  }
0x1c: {  	[tilespmem:s4], [sflag:$0x5] =	stream.linear.gather [hbm4b:s8+s4], $0x19000, $0x38;
	[tilespmem:$0x1E280] =	vst v63  }
0x1d: {  	_ =	swait.ge [sflag:s12], $0x19000  }
0x1e: {  	[sflag:s12] =	ssyncset.done $0x0  }
0x1f: {  	s22 =	simm.s32 $0x0;
	[sflag:s12] =	ssyncadd.s32 $0xFFFE7000  }
.LBB2_2:
0x20: {  	s23 =	simm.s32 $0x0  }
0x21: {  	s25 =	smul.u32 $0x5, s22;
	s26 =	sand.u32 $0x3, s23  }
0x22: {  	s24 =	smul.u32 $0x6400, s26  }
0x23: {  	p0 =	slt.u32 s22, $0x2;
	s23 =	sand.u32 $0x1, s22;
	s28 =	sadd.s32 $0x0, s25  }
0x24: {  	s29 =	sadd.s32 @!p0 $0x1, s23;
	s30 =	sadd.s32 s28, s24  }
0x25: {  	_ =	swait.ge @!p0 [sflag:s29], $0x2800;
	s31 =	sadd.s32 $0xC80, s30  }
0x26: {  	[sflag:s29] =	ssyncset.done @!p0 $0x0;
	s0 =	sadd.s32 $0x3200, s30;
	v1 =	vadd.s32 s31, v0  }
0x27: {  	[sflag:s29] =	ssyncadd.s32 @!p0 $0xFFFFD800;
	s29 =	sadd.s32 @!p0 $0x3, s23;
	s2 =	sadd.s32 $0x1900, s30;
	v2 =	vadd.s32 s0, v0  }
0x28: {  	s5 =	sadd.s32 $0x4B00, s30;
	_ =	swait.ge @!p0 [sflag:s29], $0x2800;
	v3 =	vadd.s32 s2, v0  }
0x29: {  	s11 =	sadd.s32 $0x5780, s30;
	v4 =	vadd.s32 s5, v0;
	[sflag:s29] =	ssyncset.done @!p0 $0x0  }
0x2a: {  	v5 =	vadd.s32 s11, v0;
	[sflag:s29] =	ssyncadd.s32 @!p0 $0xFFFFD800;
	s29 =	sadd.s32 $0x2580, s30  }
0x2b: {  	v6 =	vadd.s32 s29, v0;
	v1 =	vld.idx.msk [tilespmem:v1+s4+$0x0], $0xffff  }
0x2c: {  	s13 =	sadd.s32 $0x3E80, s30;
	v2 =	vld.idx.msk [tilespmem:v2+s4+$0x0], $0xffff  }
0x2d: {  	s24 =	sor.u32 s28, s24;
	v7 =	vadd.s32 s13, v0;
	v3 =	vld.idx.msk [tilespmem:v3+s4+$0x0], $0xffff  }
0x2e: {  	v8 =	vadd.s32 s24, v0;
	v9 =	vld.idx.msk [tilespmem:v4+s4+$0x0], $0xffff  }
0x2f: {  	v5 =	vld.idx.msk [tilespmem:v5+s4+$0x0], $0xffff  }
0x30: {  	v10 =	vld.idx.msk [tilespmem:v6+s4+$0x0], $0xffff  }
0x31: {  	v4 =	vshll.u32 v1, $0x2  }
0x32: {  	v11 =	vld.idx.msk [tilespmem:v7+s4+$0x0], $0xffff;
	v1 =	vshll.u32 v2, $0x2;
	v12 =	vadd.s32 $0x10, v4  }
0x33: {  	v14 =	vld.idx.msk [tilespmem:v8+s4+$0x0], $0xffff;
	v2 =	vshll.u32 v3, $0x2;
	v13 =	vadd.s32 $0x10, v1  }
0x34: {  	v6 =	vshll.u32 v5, $0x2;
	v15 =	vadd.s32 $0x10, v2  }
0x35: {  	v8 =	vshll.u32 v9, $0x2;
	v7 =	vshll.u32 v10, $0x2;
	v10 =	vadd.s32 $0x10, v6  }
0x36: {  	v9 =	vadd.s32 $0x10, v8  }
0x37: {  	v3 =	vshll.u32 v11, $0x2;
	v16 =	vadd.s32 $0x10, v7;
	v12 =	vld.idx.msk [tilespmem:v12+s14+$0x0], $0xffff  }
0x38: {  	s30 =	smul.u32 $0xA000, s23;
	v5 =	vshll.u32 v14, $0x2;
	v11 =	vld.idx.msk [tilespmem:v13+s14+$0x0], $0xffff;
	v13 =	vadd.s32 $0x10, v3  }
0x39: {  	v17 =	vld.idx.msk [tilespmem:v15+s14+$0x0], $0xffff;
	v15 =	vadd.s32 $0x10, v5  }
0x3a: {  	s28 =	simm.s32 $0x0;
	s2 =	sshrl.u32 s30, $0x2;
	v14 =	vadd.s32 $0x11, v1;
	v10 =	vld.idx.msk [tilespmem:v10+s14+$0x0], $0xffff  }
0x3b: {  	s31 =	sand.u32 $0x3FFFF800, s28;
	s24 =	sadd.s32 $0x19000, s2;
	v21 =	vadd.s32 $0x11, v6;
	v9 =	vld.idx.msk [tilespmem:v9+s14+$0x0], $0xffff  }
0x3c: {  	s26 =	sshll.u32 s26, $0x9;
	s2 =	sadd.s32 s31, s24;
	v20 =	vld.idx.msk [tilespmem:v16+s14+$0x0], $0xffff  }
0x3d: {  	s26 =	sadd.s32 s26, s2;
	v19 =	vadd.s32 $0x11, v8;
	v22 =	vld.idx.msk [tilespmem:v13+s14+$0x0], $0xffff  }
0x3e: {  	v24 =	vadd.s32 $0x11, v2;
	[tilespmem:s26+$0x40] =	vst v11;
	v16 =	vld.idx.msk [tilespmem:v15+s14+$0x0], $0xffff  }
0x3f: {  	v23 =	vadd.s32 $0x11, v7;
	v18 =	vld.idx.msk [tilespmem:v14+s14+$0x0], $0xffff;
	[tilespmem:s26+$0x70] =	vst v10  }
0x40: {  	[tilespmem:s26+$0x60] =	vst v9;
	v15 =	vld.idx.msk [tilespmem:v21+s14+$0x0], $0xffff;
	v21 =	vadd.s32 $0x11, v3  }
0x41: {  	v11 =	vadd.s32 $0x11, v4;
	[tilespmem:s26+$0x20] =	vst v17  }
0x42: {  	v13 =	vld.idx.msk [tilespmem:v19+s14+$0x0], $0xffff;
	[tilespmem:s26+$0x30] =	vst v20;
	v20 =	vadd.s32 $0x11, v5  }
0x43: {  	[tilespmem:s26+$0x10] =	vst v12;
	v19 =	vadd.s32 $0x12, v8;
	v14 =	vld.idx.msk [tilespmem:v24+s14+$0x0], $0xffff  }
0x44: {  	s28 =	simm.s32 $0x0;
	s29 =	simm.s32 $0x1;
	v9 =	vadd.s32 $0x12, v1;
	v17 =	vadd.s32 $0x12, v6;
	v10 =	vadd.s32 $0x12, v4;
	v12 =	vld.idx.msk [tilespmem:v23+s14+$0x0], $0xffff;
	[tilespmem:s26+$0x50] =	vst v22  }
.LBB2_3:
0x45: {  	s28 =	sadd.s32 $0x8, s28;
	s30 =	sand.u32 $0x3, s29;
	[tilespmem:s26+$0xC0] =	vst v18;
	v18 =	vld.idx.msk [tilespmem:v21+s14+$0x0], $0xffff  }
0x46: {  	s2 =	sshrl.u32 s28, $0x5;
	s0 =	smul.u32 $0x6400, s30;
	s31 =	sshll.u32 s28, $0x6;
	[tilespmem:s26+$0x0] =	vst v16;
	v11 =	vld.idx.msk [tilespmem:v11+s14+$0x0], $0xffff;
	v16 =	vadd.s32 $0x12, v2  }
0x47: {  	v21 =	vadd.s32 $0x12, v7;
	p0 =	slt.u32 s28, $0x98;
	s2 =	sadd.s32 s25, s2;
	s31 =	sand.u32 $0x3FFFF800, s31;
	v20 =	vld.idx.msk [tilespmem:v20+s14+$0x0], $0xffff;
	[tilespmem:s26+$0xE0] =	vst v13  }
0x48: {  	s13 =	sor.u32 s2, s0;
	s31 =	sadd.s32 s31, s24;
	s0 =	sadd.s32 s2, s0;
	v13 =	vld.idx.msk [tilespmem:v19+s14+$0x0], $0xffff;
	[tilespmem:s26+$0xF0] =	vst v15  }
0x49: {  	v15 =	vadd.s32 $0x12, v5;
	s2 =	sadd.s32 $0xC80, s0;
	s5 =	sadd.s32 $0x1900, s0;
	s11 =	sadd.s32 $0x2580, s0;
	[tilespmem:s26+$0xB0] =	vst v12;
	v12 =	vld.idx.msk [tilespmem:v17+s14+$0x0], $0xffff  }
0x4a: {  	v17 =	vadd.s32 s2, v0;
	s2 =	sadd.s32 $0x3200, s0;
	[tilespmem:s26+$0xA0] =	vst v14;
	v9 =	vld.idx.msk [tilespmem:v9+s14+$0x0], $0xffff  }
0x4b: {  	v8 =	vadd.s32 $0x13, v8;
	v14 =	vadd.s32 s5, v0;
	v16 =	vld.idx.msk [tilespmem:v16+s14+$0x0], $0xffff;
	[tilespmem:s26+$0xD0] =	vst v18  }
0x4c: {  	v18 =	vadd.s32 s11, v0;
	[tilespmem:s26+$0x90] =	vst v11;
	v11 =	vld.idx.msk [tilespmem:v21+s14+$0x0], $0xffff  }
0x4d: {  	v19 =	vadd.s32 s2, v0;
	s2 =	sadd.s32 $0x3E80, s0;
	[tilespmem:s26+$0x80] =	vst v20;
	v10 =	vld.idx.msk [tilespmem:v10+s14+$0x0], $0xffff  }
0x4e: {  	v7 =	vadd.s32 $0x13, v7;
	v20 =	vadd.s32 s2, v0;
	s2 =	sadd.s32 $0x4B00, s0;
	v15 =	vld.idx.msk [tilespmem:v15+s14+$0x0], $0xffff;
	[tilespmem:s26+$0x160] =	vst v13  }
0x4f: {  	s0 =	sadd.s32 $0x5780, s0;
	v13 =	vld.idx.msk [tilespmem:v17+s4+$0x0], $0xffff;
	v17 =	vadd.s32 s2, v0;
	[tilespmem:s26+$0x170] =	vst v12  }
0x50: {  	v12 =	vadd.s32 s0, v0;
	[tilespmem:s26+$0x140] =	vst v9;
	v8 =	vld.idx.msk [tilespmem:v8+s14+$0x0], $0xffff  }
0x51: {  	v9 =	vadd.s32 s13, v0;
	v14 =	vld.idx.msk [tilespmem:v14+s4+$0x0], $0xffff;
	[tilespmem:s26+$0x120] =	vst v16  }
0x52: {  	v16 =	vld.idx.msk [tilespmem:v18+s4+$0x0], $0xffff;
	[tilespmem:s26+$0x130] =	vst v11  }
0x53: {  	[tilespmem:s26+$0x110] =	vst v10;
	v10 =	vld.idx.msk [tilespmem:v7+s14+$0x0], $0xffff  }
0x54: {  	v11 =	vld.idx.msk [tilespmem:v19+s4+$0x0], $0xffff;
	[tilespmem:s26+$0x100] =	vst v15;
	v15 =	vadd.s32 $0x13, v4  }
0x55: {  	v6 =	vadd.s32 $0x13, v6;
	v4 =	vshll.u32 v13, $0x2;
	v13 =	vld.idx.msk [tilespmem:v20+s4+$0x0], $0xffff  }
0x56: {  	v18 =	vadd.s32 $0x10, v4;
	v17 =	vld.idx.msk [tilespmem:v17+s4+$0x0], $0xffff;
	[tilespmem:s26+$0x1E0] =	vst v8  }
0x57: {  	v19 =	vadd.s32 $0x13, v2;
	v2 =	vshll.u32 v14, $0x2;
	v12 =	vld.idx.msk [tilespmem:v12+s4+$0x0], $0xffff  }
0x58: {  	v20 =	vadd.s32 $0x10, v2;
	v7 =	vshll.u32 v16, $0x2;
	v14 =	vld.idx.msk [tilespmem:v9+s4+$0x0], $0xffff  }
0x59: {  	v15 =	vld.idx.msk [tilespmem:v15+s14+$0x0], $0xffff;
	[tilespmem:s26+$0x1B0] =	vst v10;
	v10 =	vadd.s32 $0x12, v3  }
0x5a: {  	v16 =	vadd.s32 $0x13, v1;
	v1 =	vshll.u32 v11, $0x2;
	v21 =	vld.idx.msk [tilespmem:v6+s14+$0x0], $0xffff  }
0x5b: {  	v22 =	vadd.s32 $0x10, v1;
	v9 =	vadd.s32 $0x12, v1;
	v18 =	vld.idx.msk [tilespmem:v18+s14+$0x0], $0xffff  }
0x5c: {  	v5 =	vadd.s32 $0x13, v5;
	v8 =	vshll.u32 v17, $0x2;
	v17 =	vld.idx.msk [tilespmem:v19+s14+$0x0], $0xffff  }
0x5d: {  	v11 =	vadd.s32 $0x11, v4;
	v6 =	vshll.u32 v12, $0x2;
	v19 =	vld.idx.msk [tilespmem:v20+s14+$0x0], $0xffff;
	v20 =	vadd.s32 $0x10, v8  }
0x5e: {  	v12 =	vadd.s32 $0x10, v6;
	v23 =	vld.idx.msk [tilespmem:v10+s14+$0x0], $0xffff  }
0x5f: {  	s0 =	sshll.u32 s30, $0x9;
	v24 =	vadd.s32 $0x10, v7;
	v10 =	vshll.u32 v13, $0x2;
	[tilespmem:s26+$0x190] =	vst v15;
	v13 =	vld.idx.msk [tilespmem:v16+s14+$0x0], $0xffff  }
0x60: {  	s0 =	sadd.s32 s0, s31;
	v16 =	vadd.s32 $0x10, v10;
	v15 =	vld.idx.msk [tilespmem:v22+s14+$0x0], $0xffff;
	[tilespmem:s26+$0x1F0] =	vst v21  }
0x61: {  	[tilespmem:s0+$0x10] =	vst v18;
	v21 =	vld.idx.msk [tilespmem:v5+s14+$0x0], $0xffff;
	v18 =	vadd.s32 $0x13, v3;
	v3 =	vmov v10  }
0x62: {  	v5 =	vshll.u32 v14, $0x2;
	v14 =	vadd.s32 $0x11, v1;
	v20 =	vld.idx.msk [tilespmem:v20+s14+$0x0], $0xffff;
	[tilespmem:s26+$0x1A0] =	vst v17  }
0x63: {  	v17 =	vadd.s32 $0x10, v5;
	[tilespmem:s0+$0x20] =	vst v19;
	v12 =	vld.idx.msk [tilespmem:v12+s14+$0x0], $0xffff  }
0x64: {  	v22 =	vadd.s32 $0x11, v8;
	v10 =	vadd.s32 $0x12, v4;
	v19 =	vld.idx.msk [tilespmem:v24+s14+$0x0], $0xffff;
	[tilespmem:s26+$0x150] =	vst v23  }
0x65: {  	v24 =	vadd.s32 $0x11, v6;
	v23 =	vld.idx.msk [tilespmem:v16+s14+$0x0], $0xffff;
	[tilespmem:s26+$0x1C0] =	vst v13  }
0x66: {  	v25 =	vadd.s32 $0x11, v7;
	[tilespmem:s0+$0x40] =	vst v15;
	v26 =	vld.idx.msk [tilespmem:v18+s14+$0x0], $0xffff  }
0x67: {  	v27 =	vadd.s32 $0x11, v2;
	v18 =	vld.idx.msk [tilespmem:v14+s14+$0x0], $0xffff;
	[tilespmem:s26+$0x180] =	vst v21  }
.Ltmp0:
0x68: {  	v21 =	vadd.s32 $0x11, v3;
	v16 =	vld.idx.msk [tilespmem:v17+s14+$0x0], $0xffff;
	[tilespmem:s0+$0x60] =	vst v20;
	(pc) =	sbr.rel @p0 .LBB2_3-.Ltmp0, $4  }
0x69: {  	v13 =	vld.idx.msk [tilespmem:v22+s14+$0x0], $0xffff;
	[tilespmem:s0+$0x70] =	vst v12  }
0x6a: {  	v20 =	vadd.s32 $0x11, v5;
	[tilespmem:s0+$0x30] =	vst v19;
	v15 =	vld.idx.msk [tilespmem:v24+s14+$0x0], $0xffff  }
0x6b: {  	v19 =	vadd.s32 $0x12, v8;
	v12 =	vld.idx.msk [tilespmem:v25+s14+$0x0], $0xffff;
	[tilespmem:s0+$0x50] =	vst v23  }
0x6c: {  	s29 =	sadd.s32 $0x1, s29;
	v17 =	vadd.s32 $0x12, v6;
	v14 =	vld.idx.msk [tilespmem:v27+s14+$0x0], $0xffff;
	[tilespmem:s26+$0x1D0] =	vst v26;
	s26 =	smov.u32 s0  }
0x6d: {  	_ =	sdelay $0x2  }
0x6e: {  	[tilespmem:s26+$0xC0] =	vst v18  }
0x6f: {  	v53 =	vld.idx.msk [tilespmem:v21+s14+$0x0], $0xffff;
	[tilespmem:s26+$0x0] =	vst v16  }
0x70: {  	v54 =	vadd.s32 $0x12, v7;
	v11 =	vld.idx.msk [tilespmem:v11+s14+$0x0], $0xffff;
	[tilespmem:s26+$0xE0] =	vst v13  }
0x71: {  	v56 =	vadd.s32 $0x12, v2;
	v55 =	vld.idx.msk [tilespmem:v20+s14+$0x0], $0xffff;
	[tilespmem:s26+$0xF0] =	vst v15  }
0x72: {  	v9 =	vld.idx.msk [tilespmem:v9+s14+$0x0], $0xffff;
	[tilespmem:s26+$0xB0] =	vst v12  }
0x73: {  	v60 =	vadd.s32 $0x12, v3;
	v19 =	vld.idx.msk [tilespmem:v19+s14+$0x0], $0xffff;
	[tilespmem:s26+$0xA0] =	vst v14  }
0x74: {  	v57 =	vadd.s32 $0x12, v5;
	v17 =	vld.idx.msk [tilespmem:v17+s14+$0x0], $0xffff;
	[tilespmem:s26+$0xD0] =	vst v53  }
0x75: {  	v1 =	vadd.s32 $0x13, v1;
	v58 =	vld.idx.msk [tilespmem:v54+s14+$0x0], $0xffff;
	[tilespmem:s26+$0x90] =	vst v11  }
0x76: {  	v8 =	vadd.s32 $0x13, v8;
	v61 =	vld.idx.msk [tilespmem:v56+s14+$0x0], $0xffff;
	[tilespmem:s26+$0x80] =	vst v55  }
0x77: {  	v6 =	vadd.s32 $0x13, v6;
	v10 =	vld.idx.msk [tilespmem:v10+s14+$0x0], $0xffff;
	[tilespmem:s26+$0x140] =	vst v9  }
0x78: {  	v59 =	vadd.s32 $0x13, v7;
	v63 =	vld.idx.msk [tilespmem:v60+s14+$0x0], $0xffff;
	[tilespmem:s26+$0x160] =	vst v19  }
0x79: {  	v2 =	vadd.s32 $0x13, v2;
	v12 =	vld.idx.msk [tilespmem:v57+s14+$0x0], $0xffff;
	[tilespmem:s26+$0x170] =	vst v17  }
0x7a: {  	v4 =	vadd.s32 $0x13, v4;
	v1 =	vld.idx.msk [tilespmem:v1+s14+$0x0], $0xffff;
	[tilespmem:s26+$0x130] =	vst v58  }
0x7b: {  	v3 =	vadd.s32 $0x13, v3;
	v8 =	vld.idx.msk [tilespmem:v8+s14+$0x0], $0xffff;
	[tilespmem:s26+$0x120] =	vst v61  }
0x7c: {  	v62 =	vadd.s32 $0x13, v5;
	v6 =	vld.idx.msk [tilespmem:v6+s14+$0x0], $0xffff;
	[tilespmem:s26+$0x110] =	vst v10  }
0x7d: {  	v7 =	vld.idx.msk [tilespmem:v59+s14+$0x0], $0xffff;
	[tilespmem:s26+$0x150] =	vst v63  }
0x7e: {  	v2 =	vld.idx.msk [tilespmem:v2+s14+$0x0], $0xffff;
	[tilespmem:s26+$0x100] =	vst v12  }
0x7f: {  	v4 =	vld.idx.msk [tilespmem:v4+s14+$0x0], $0xffff;
	[tilespmem:s26+$0x1C0] =	vst v1  }
0x80: {  	v3 =	vld.idx.msk [tilespmem:v3+s14+$0x0], $0xffff;
	[tilespmem:s26+$0x1E0] =	vst v8  }
0x81: {  	v5 =	vld.idx.msk [tilespmem:v62+s14+$0x0], $0xffff;
	[tilespmem:s26+$0x1F0] =	vst v6  }
0x82: {  	s0 =	smul.u32 $0x50000, s22;
	[tilespmem:s26+$0x1B0] =	vst v7  }
0x83: {  	s22 =	sadd.s32 $0x1, s22;
	[tilespmem:s26+$0x1A0] =	vst v2  }
0x84: {  	p0 =	sne.s32 s22, $0x28;
	s0 =	sor.u32 s9, s0;
	[tilespmem:s26+$0x190] =	vst v4  }
.Ltmp1:
0x85: {  	s0 =	sshrl.u32 s0, $0x3;
	[tilespmem:s26+$0x1D0] =	vst v3;
	(pc) =	sbr.rel @p0 .LBB2_2-.Ltmp1, $4  }
0x86: {  	s2 =	sadd.s32 $0x1, s23;
	s5 =	sadd.s32 s1, s0;
	[tilespmem:s26+$0x180] =	vst v5  }
0x87: {  	[hbm4b:s5+s15] =	stream.strided.scatter [tilespmem:s24], [sflag:s2], $0x2800, s16, s15, $0x38;
	[tilespmem:$0x1E280] =	vst v63  }
0x88: {  	s31 =	sadd.s32 $0x3, s23;
	s0 =	sadd.s32 s3, s0  }
0x89: {  	[hbm4b:s0+s15] =	stream.strided.scatter [tilespmem:s24], [sflag:s31], $0x2800, s16, s15, $0x38;
	[tilespmem:$0x1E280] =	vst v63  }
0x8a: {  	_ =	swait.ge [sflag:s17], $0x2800  }
0x8b: {  	[sflag:s17] =	ssyncset.done $0x0  }
0x8c: {  	[sflag:s17] =	ssyncadd.s32 $0xFFFFD800  }
0x8d: {  	_ =	swait.ge [sflag:s18], $0x2800  }
0x8e: {  	[sflag:s18] =	ssyncset.done $0x0  }
0x8f: {  	s21 =	sadd.s32 $0x1, s21;
	[sflag:s18] =	ssyncadd.s32 $0xFFFFD800  }
0x90: {  	p0 =	sne.s32 s21, s10;
	_ =	swait.ge [sflag:s19], $0x2800  }
.Ltmp2:
0x91: {  	[sflag:s19] =	ssyncset.done $0x0;
	(pc) =	sbr.rel @p0 .LBB2_1-.Ltmp2, $4  }
0x92: {  	[sflag:s19] =	ssyncadd.s32 $0xFFFFD800  }
0x93: {  	_ =	swait.ge [sflag:s20], $0x2800  }
0x94: {  	[sflag:s20] =	ssyncset.done $0x0  }
0x95: {  	[sflag:s20] =	ssyncadd.s32 $0xFFFFD800  }
0x96: {  	_ =	sfence.sel $0x180000  }
0x97: {  	[bflag:$0x0] =	sbarrier.arrive $0xFFFF  }
0x98: {  	_ =	strace $0x90000047  }
0x99: {  	s0 =	stileid.u32;
	[bflag:$0x2] =	sbarrier.arrive $0xFFFF  }
0x9a: {  	p0 =	sne.s32 s0, $0x0;
	s0 =	rddreg [dreg:$0x5]  }
0x9b: {  	s0 =	sadd.s32 @!p0 $0x100000, s0  }
0x9c: {  	[sflag:s0] =	ssyncadd.tile.s32 @!p0 $0x1;
	_ =	shalt  }
.Lfunc_end2:
_tile_overlayer_lowered:
.L_overlay_start_2:
0x9d: {  	(tag) =	ssettag $0x2  }
0x9e: {  	s0 =	rddreg [dreg:$0x0];
	s2 =	stileid.u32  }
0x9f: {  	s1 =	rddreg [dreg:$0x1];
	p0 =	sne.s32 s2, $0x0  }
0xa0: {  	s3 =	rddreg [dreg:$0x2];
	[bflag:$0x3] =	sbarrier.arrive $0xFFFF;
	s2 =	simm.s32 @!p0 $0x1C05  }
0xa1: {  	[timem:s3], [sflag:s2] =	dma.local @!p0 [hbm:s0], s1  }
0xa2: {  	s0 =	simm.s32 @!p0 $0x5  }
0xa3: {  	_ =	swait.ge @!p0 [sflag:s0], s1  }
0xa4: {  	s1 =	ssub.s32 @!p0 $0x0, s1;
	[sflag:s0] =	ssyncset.done @!p0 $0x0  }
0xa5: {  	[sflag:s0] =	ssyncadd.s32 @!p0 s1  }
0xa6: {  	[bflag:$0x3] =	sbarrier.arrive $0xFFFF  }
0xa7: {  	_ =	shalt  }

</sc_bundles>
